<compile_context>
chip_gen: v7x
topology: tpu7x:2x2x1
jax: 0.10.2.dev20260603
libtpu: 0.0.44.dev20260713+nightly
codegen_flags: <defaults>
</compile_context>

<pallas_src>
import functools

import jax
import jax.numpy as jnp
from jax import lax
from jax.experimental import pallas as pl
from jax.experimental.pallas import tpu as pltpu
from jax.experimental.pallas import tpu_sc as plsc

E = 8
H = 1024
I_MOE = 512
I_SHARED = 1024
T = 1024
NW = 32
TOK = T // NW
LANES = 16


def _dot_t(a, b):
    return jax.lax.dot_general(
        a, b, (((1,), (1,)), ((), ())), preferred_element_type=jnp.float32
    )


def _bf(v):
    return v.astype(jnp.bfloat16)


def _silu(x):
    return x * jax.nn.sigmoid(x)



def _logits_kernel(x_ref, gate_w_ref, out_ref):
    out_ref[...] = _dot_t(gate_w_ref[...], x_ref[...])


def _logits(x, gate_w):
    return pl.pallas_call(
        _logits_kernel,
        out_shape=jax.ShapeDtypeStruct((E, T), jnp.float32),
    )(x, gate_w)



def _sc_router(logits_hbm, out_hbm, lg_v, cb_v):
    wid = lax.axis_index("s") * 2 + lax.axis_index("c")
    pltpu.sync_copy(logits_hbm.at[wid], lg_v)

    for c in range(TOK // LANES):
        sl = pl.ds(c * LANES, LANES)
        lg = [lg_v[e, sl] for e in range(E)]
        m = lg[0]
        for e in range(1, E):
            m = jnp.maximum(m, lg[e])
        p = [jnp.exp(v - m) for v in lg]
        ssum = p[0]
        for e in range(1, E):
            ssum = ssum + p[e]
        p = [q / ssum for q in p]

        one = jnp.full((LANES,), 1.0, jnp.float32)
        zero = jnp.full((LANES,), 0.0, jnp.float32)

        w1 = p[0]
        for e in range(1, E):
            w1 = jnp.maximum(w1, p[e])
        taken = zero
        sel1 = []
        for e in range(E):
            eq = jnp.where(p[e] == w1, one, zero)
            s_e = eq * (one - taken)
            sel1.append(s_e)
            taken = taken + s_e

        p2 = [p[e] - sel1[e] * (p[e] + 1.0) for e in range(E)]
        w2 = p2[0]
        for e in range(1, E):
            w2 = jnp.maximum(w2, p2[e])
        taken2 = zero
        sel2 = []
        for e in range(E):
            eq = jnp.where(p2[e] == w2, one, zero)
            s_e = eq * (one - taken2)
            sel2.append(s_e)
            taken2 = taken2 + s_e

        denom = w1 + w2
        for e in range(E):
            cb_v[e, sl] = (sel1[e] * w1 + sel2[e] * w2) / denom

    pltpu.sync_copy(cb_v, out_hbm.at[wid])


def _sc_combine(logits3):
    mesh = plsc.VectorSubcoreMesh(core_axis_name="c", subcore_axis_name="s")
    k = functools.partial(
        pl.kernel,
        mesh=mesh,
        out_type=jax.ShapeDtypeStruct((NW, E, TOK), jnp.float32),
        scratch_types=[
            pltpu.VMEM((E, TOK), jnp.float32),
            pltpu.VMEM((E, TOK), jnp.float32),
        ],
    )(_sc_router)
    return k(logits3)



def _moe_kernel(x_ref, combine_ref, gp_ref, up_ref, dp_ref,
                sg_ref, su_ref, sd_ref, seg_ref,
                out_ref, xb_ref):
    s = pl.program_id(0)
    t = out_ref.shape[0]
    e_iota = jax.lax.broadcasted_iota(jnp.int32, (t, E), 1)

    @pl.when(s == 0)
    def _shared():
        x = x_ref[...]
        xb_ref[...] = _bf(x)
        xbs = xb_ref[...]
        sg = _dot_t(xbs, _bf(sg_ref[...]))
        su = _dot_t(xbs, _bf(su_ref[...]))
        sh = _dot_t(_bf(_silu(sg) * su), _bf(sd_ref[...]))
        gv = jax.nn.sigmoid(_dot_t(x, seg_ref[...]))
        out_ref[...] = gv * sh

    xb = xb_ref[...]

    g = _dot_t(xb, _bf(gp_ref[0]))
    u = _dot_t(xb, _bf(up_ref[0]))
    act = _silu(g) * u
    w_e = jnp.sum(jnp.where(e_iota == s, combine_ref[...], 0.0),
                  axis=-1, keepdims=True)
    out_ref[...] += _dot_t(_bf(act * w_e), _bf(dp_ref[0]))


def kernel(hidden_states, gate_w, gate_proj_w, up_proj_w, down_proj_w,
           shared_gate_w, shared_up_w, shared_down_w, shared_expert_gate_w):
    b, s, h = hidden_states.shape
    x = hidden_states.reshape(-1, h)
    t = x.shape[0]

    logits = _logits(x, gate_w)
    logits3 = jnp.transpose(logits.reshape(E, NW, TOK), (1, 0, 2))
    cb3 = _sc_combine(logits3)
    combine = jnp.transpose(cb3, (1, 0, 2)).reshape(E, t).T

    out = pl.pallas_call(
        _moe_kernel,
        grid=(E,),
        in_specs=[
            pl.BlockSpec((t, h), lambda i: (0, 0)),
            pl.BlockSpec((t, E), lambda i: (0, 0)),
            pl.BlockSpec((1, I_MOE, h), lambda i: (i, 0, 0)),
            pl.BlockSpec((1, I_MOE, h), lambda i: (i, 0, 0)),
            pl.BlockSpec((1, h, I_MOE), lambda i: (i, 0, 0)),
            pl.BlockSpec((I_SHARED, h), lambda i: (0, 0)),
            pl.BlockSpec((I_SHARED, h), lambda i: (0, 0)),
            pl.BlockSpec((h, I_SHARED), lambda i: (0, 0)),
            pl.BlockSpec((1, h), lambda i: (0, 0)),
        ],
        out_specs=pl.BlockSpec((t, h), lambda i: (0, 0)),
        out_shape=jax.ShapeDtypeStruct((t, h), jnp.float32),
        scratch_shapes=[
            pltpu.VMEM((t, H), jnp.bfloat16),
        ],
    )(x, combine, gate_proj_w, up_proj_w, down_proj_w,
      shared_gate_w, shared_up_w, shared_down_w, shared_expert_gate_w)

    return out.reshape(b, s, h)

# --- scband reference (transcript-rebuilt; emitter-appended) ---
"""Pipeline reference for scband-qwen3-sparse-moe-block-17583596110548 (READ-ONLY COPY).

The authoritative reference and input builder live on the scoring server;
editing this copy changes nothing except your own understanding.
"""

import jax, jax.numpy as jnp
import numpy as np

E = 8
TOP_K = 2
H = 1024
I_MOE = 512
I_SHARED = 1024
NORM_TOPK = True
B, S = 128, 8


def setup_inputs(seed: int = 0) -> dict:
    key = jax.random.key(seed)
    ks = jax.random.split(key, 9)
    s = 0.02
    return {
        "hidden_states": jax.random.normal(ks[0], (B, S, H), dtype=jnp.float32),
        "gate_w": jax.random.normal(ks[1], (E, H), dtype=jnp.float32) * s,
        "gate_proj_w": jax.random.normal(ks[2], (E, I_MOE, H), dtype=jnp.float32) * s,
        "up_proj_w": jax.random.normal(ks[3], (E, I_MOE, H), dtype=jnp.float32) * s,
        "down_proj_w": jax.random.normal(ks[4], (E, H, I_MOE), dtype=jnp.float32) * s,
        "shared_gate_w": jax.random.normal(ks[5], (I_SHARED, H), dtype=jnp.float32) * s,
        "shared_up_w": jax.random.normal(ks[6], (I_SHARED, H), dtype=jnp.float32) * s,
        "shared_down_w": jax.random.normal(ks[7], (H, I_SHARED), dtype=jnp.float32) * s,
        "shared_expert_gate_w": jax.random.normal(ks[8], (1, H), dtype=jnp.float32) * s,
    }


def _silu(x):
    return x * jax.nn.sigmoid(x)


def reference(hidden_states, gate_w, gate_proj_w, up_proj_w, down_proj_w,
              shared_gate_w, shared_up_w, shared_down_w, shared_expert_gate_w):
    b, s, h = hidden_states.shape
    hidden = hidden_states.reshape(-1, h)  # [T, H]

    # Router
    router_logits = hidden @ gate_w.T  # [T, E]
    routing_weights = jax.nn.softmax(router_logits.astype(jnp.float32), axis=-1)
    topk_w, topk_idx = jax.lax.top_k(routing_weights, TOP_K)  # [T, K]
    if NORM_TOPK:
        topk_w = topk_w / jnp.sum(topk_w, axis=-1, keepdims=True)
    topk_w = topk_w.astype(hidden.dtype)

    # Dense combine weights [T, E]: scatter top-k weights back to expert slots
    one_hot = jax.nn.one_hot(topk_idx, E, dtype=hidden.dtype)  # [T, K, E]
    combine = jnp.einsum('tk,tke->te', topk_w, one_hot)  # [T, E]

    # Expert MLPs (SwiGLU), computed for all experts then mixed by combine weights
    g = jnp.einsum('th,eih->tei', hidden, gate_proj_w)  # [T, E, I]
    u = jnp.einsum('th,eih->tei', hidden, up_proj_w)
    act = _silu(g) * u
    expert_out = jnp.einsum('tei,ehi->teh', act, down_proj_w)  # [T, E, H]
    moe_out = jnp.einsum('te,teh->th', combine, expert_out)  # [T, H]

    # Shared expert with sigmoid gate
    sg = hidden @ shared_gate_w.T
    su = hidden @ shared_up_w.T
    shared_out = (_silu(sg) * su) @ shared_down_w.T  # [T, H]
    shared_gate_val = jax.nn.sigmoid(hidden @ shared_expert_gate_w.T)  # [T, 1]
    final = moe_out + shared_gate_val * shared_out

    return final.reshape(b, s, h)

if __name__ == "__main__":
    import jax
    _d = setup_inputs()
    print(jax.jit(kernel)(*tuple(_d.values())))

</pallas_src>

<mosaic_0001>
#map = affine_map<(d0, d1) -> (0, 0, 0)>
module attributes {stable_mosaic.version = 14 : i64} {
  func.func @_sc_router(%arg0: i32, %arg1: i32, %arg2: memref<32x8x32xf32, #tpu.memory_space<hbm>>, %arg3: memref<32x8x32xf32, #tpu.memory_space<hbm>>, %arg4: memref<8x32xf32, #tpu.memory_space<vmem>>, %arg5: memref<8x32xf32, #tpu.memory_space<vmem>>) attributes {dimension_semantics = [#tpu.dimension_semantics<core_parallel>, #tpu.dimension_semantics<subcore_parallel>], iteration_bounds = array<i64: 2, 16>, scalar_prefetch = 0 : i64, scratch_operands = 2 : i64, tpu.core_type = #tpu.core_type<sc_vector_subcore>, window_params = [{transform_indices = #map}, {transform_indices = #map}]} {
    %mul3A = arith.constant 2 : i32
    %mul3A_0 = arith.muli %arg1, %mul3A : i32
    %add3A = arith.addi %mul3A_0, %arg0 : i32
    "tpu.region"() ({
      %run_scoped3A = tpu.sem_alloc : memref<!tpu.dma_semaphore, #tpu.memory_space<semaphore_mem>>
      %dma_start3A = arith.constant 0 : i32
      %dma_start3A_586 = arith.constant 0 : i32
      %dma_start3A_587 = tpu.memref_slice %arg2[%add3A, %dma_start3A, %dma_start3A_586] : memref<32x8x32xf32, #tpu.memory_space<hbm>> -> memref<1x8x32xf32, #tpu.memory_space<hbm>>
      %dma_start3A_588 = tpu.memref_squeeze %dma_start3A_587 : memref<1x8x32xf32, #tpu.memory_space<hbm>> -> memref<8x32xf32, #tpu.memory_space<hbm>>
      %dma_start3A_589 = arith.constant 0 : i32
      %dma_start3A_590 = arith.constant 0 : i32
      %dma_start3A_591 = tpu.memref_slice %arg2[%add3A, %dma_start3A_589, %dma_start3A_590] : memref<32x8x32xf32, #tpu.memory_space<hbm>> -> memref<1x8x32xf32, #tpu.memory_space<hbm>>
      %dma_start3A_592 = tpu.memref_squeeze %dma_start3A_591 : memref<1x8x32xf32, #tpu.memory_space<hbm>> -> memref<8x32xf32, #tpu.memory_space<hbm>>
      tpu.enqueue_dma source(%dma_start3A_592 : memref<8x32xf32, #tpu.memory_space<hbm>>) target(%arg4 : memref<8x32xf32, #tpu.memory_space<vmem>>) target_semaphore(%run_scoped3A : memref<!tpu.dma_semaphore, #tpu.memory_space<semaphore_mem>>)
      %dma_wait3A = arith.constant 0 : i32
      %dma_wait3A_593 = arith.constant 0 : i32
      %dma_wait3A_594 = tpu.memref_slice %arg2[%add3A, %dma_wait3A, %dma_wait3A_593] : memref<32x8x32xf32, #tpu.memory_space<hbm>> -> memref<1x8x32xf32, #tpu.memory_space<hbm>>
      %dma_wait3A_595 = tpu.memref_squeeze %dma_wait3A_594 : memref<1x8x32xf32, #tpu.memory_space<hbm>> -> memref<8x32xf32, #tpu.memory_space<hbm>>
      %dma_wait3A_596 = arith.constant 0 : i32
      %dma_wait3A_597 = arith.constant 0 : i32
      %dma_wait3A_598 = tpu.memref_slice %arg2[%add3A, %dma_wait3A_596, %dma_wait3A_597] : memref<32x8x32xf32, #tpu.memory_space<hbm>> -> memref<1x8x32xf32, #tpu.memory_space<hbm>>
      %dma_wait3A_599 = tpu.memref_squeeze %dma_wait3A_598 : memref<1x8x32xf32, #tpu.memory_space<hbm>> -> memref<8x32xf32, #tpu.memory_space<hbm>>
      tpu.wait_dma2 semaphore(%run_scoped3A : memref<!tpu.dma_semaphore, #tpu.memory_space<semaphore_mem>>) src(%dma_wait3A_599 : memref<8x32xf32, #tpu.memory_space<hbm>>) dst(%arg4 : memref<8x32xf32, #tpu.memory_space<vmem>>)
      tpu.yield
    }) : () -> ()
    %get3A = arith.constant 0 : i32
    %get3A_1 = arith.index_cast %get3A : i32 to index
    %get3A_2 = arith.constant 0 : index
    %get3A_3 = tpu.vector_load %arg4[%get3A_1, %get3A_2] {strides = array<i32>} : memref<8x32xf32, #tpu.memory_space<vmem>>, vector<1x16xf32>,
    %get3A_4 = vector.shape_cast %get3A_3 : vector<1x16xf32> to vector<16xf32>
    %get3A_5 = arith.constant 1 : i32
    %get3A_6 = arith.index_cast %get3A_5 : i32 to index
    %get3A_7 = arith.constant 0 : index
    %get3A_8 = tpu.vector_load %arg4[%get3A_6, %get3A_7] {strides = array<i32>} : memref<8x32xf32, #tpu.memory_space<vmem>>, vector<1x16xf32>,
    %get3A_9 = vector.shape_cast %get3A_8 : vector<1x16xf32> to vector<16xf32>
    %get3A_10 = arith.constant 2 : i32
    %get3A_11 = arith.index_cast %get3A_10 : i32 to index
    %get3A_12 = arith.constant 0 : index
    %get3A_13 = tpu.vector_load %arg4[%get3A_11, %get3A_12] {strides = array<i32>} : memref<8x32xf32, #tpu.memory_space<vmem>>, vector<1x16xf32>,
    %get3A_14 = vector.shape_cast %get3A_13 : vector<1x16xf32> to vector<16xf32>
    %get3A_15 = arith.constant 3 : i32
    %get3A_16 = arith.index_cast %get3A_15 : i32 to index
    %get3A_17 = arith.constant 0 : index
    %get3A_18 = tpu.vector_load %arg4[%get3A_16, %get3A_17] {strides = array<i32>} : memref<8x32xf32, #tpu.memory_space<vmem>>, vector<1x16xf32>,
    %get3A_19 = vector.shape_cast %get3A_18 : vector<1x16xf32> to vector<16xf32>
    %get3A_20 = arith.constant 4 : i32
    %get3A_21 = arith.index_cast %get3A_20 : i32 to index
    %get3A_22 = arith.constant 0 : index
    %get3A_23 = tpu.vector_load %arg4[%get3A_21, %get3A_22] {strides = array<i32>} : memref<8x32xf32, #tpu.memory_space<vmem>>, vector<1x16xf32>,
    %get3A_24 = vector.shape_cast %get3A_23 : vector<1x16xf32> to vector<16xf32>
    %get3A_25 = arith.constant 5 : i32
    %get3A_26 = arith.index_cast %get3A_25 : i32 to index
    %get3A_27 = arith.constant 0 : index
    %get3A_28 = tpu.vector_load %arg4[%get3A_26, %get3A_27] {strides = array<i32>} : memref<8x32xf32, #tpu.memory_space<vmem>>, vector<1x16xf32>,
    %get3A_29 = vector.shape_cast %get3A_28 : vector<1x16xf32> to vector<16xf32>
    %get3A_30 = arith.constant 6 : i32
    %get3A_31 = arith.index_cast %get3A_30 : i32 to index
    %get3A_32 = arith.constant 0 : index
    %get3A_33 = tpu.vector_load %arg4[%get3A_31, %get3A_32] {strides = array<i32>} : memref<8x32xf32, #tpu.memory_space<vmem>>, vector<1x16xf32>,
    %get3A_34 = vector.shape_cast %get3A_33 : vector<1x16xf32> to vector<16xf32>
    %get3A_35 = arith.constant 7 : i32
    %get3A_36 = arith.index_cast %get3A_35 : i32 to index
    %get3A_37 = arith.constant 0 : index
    %get3A_38 = tpu.vector_load %arg4[%get3A_36, %get3A_37] {strides = array<i32>} : memref<8x32xf32, #tpu.memory_space<vmem>>, vector<1x16xf32>,
    %get3A_39 = vector.shape_cast %get3A_38 : vector<1x16xf32> to vector<16xf32>
    %max3A = arith.maximumf %get3A_4, %get3A_9 : vector<16xf32>
    %max3A_40 = arith.maximumf %max3A, %get3A_14 : vector<16xf32>
    %max3A_41 = arith.maximumf %max3A_40, %get3A_19 : vector<16xf32>
    %max3A_42 = arith.maximumf %max3A_41, %get3A_24 : vector<16xf32>
    %max3A_43 = arith.maximumf %max3A_42, %get3A_29 : vector<16xf32>
    %max3A_44 = arith.maximumf %max3A_43, %get3A_34 : vector<16xf32>
    %max3A_45 = arith.maximumf %max3A_44, %get3A_39 : vector<16xf32>
    %sub3A = arith.subf %get3A_4, %max3A_45 : vector<16xf32>
    %exp3A = math.exp %sub3A : vector<16xf32>
    %sub3A_46 = arith.subf %get3A_9, %max3A_45 : vector<16xf32>
    %exp3A_47 = math.exp %sub3A_46 : vector<16xf32>
    %sub3A_48 = arith.subf %get3A_14, %max3A_45 : vector<16xf32>
    %exp3A_49 = math.exp %sub3A_48 : vector<16xf32>
    %sub3A_50 = arith.subf %get3A_19, %max3A_45 : vector<16xf32>
    %exp3A_51 = math.exp %sub3A_50 : vector<16xf32>
    %sub3A_52 = arith.subf %get3A_24, %max3A_45 : vector<16xf32>
    %exp3A_53 = math.exp %sub3A_52 : vector<16xf32>
    %sub3A_54 = arith.subf %get3A_29, %max3A_45 : vector<16xf32>
    %exp3A_55 = math.exp %sub3A_54 : vector<16xf32>
    %sub3A_56 = arith.subf %get3A_34, %max3A_45 : vector<16xf32>
    %exp3A_57 = math.exp %sub3A_56 : vector<16xf32>
    %sub3A_58 = arith.subf %get3A_39, %max3A_45 : vector<16xf32>
    %exp3A_59 = math.exp %sub3A_58 : vector<16xf32>
    %add3A_60 = arith.addf %exp3A, %exp3A_47 : vector<16xf32>
    %add3A_61 = arith.addf %add3A_60, %exp3A_49 : vector<16xf32>
    %add3A_62 = arith.addf %add3A_61, %exp3A_51 : vector<16xf32>
    %add3A_63 = arith.addf %add3A_62, %exp3A_53 : vector<16xf32>
    %add3A_64 = arith.addf %add3A_63, %exp3A_55 : vector<16xf32>
    %add3A_65 = arith.addf %add3A_64, %exp3A_57 : vector<16xf32>
    %add3A_66 = arith.addf %add3A_65, %exp3A_59 : vector<16xf32>
    %div3A = arith.divf %exp3A, %add3A_66 : vector<16xf32>
    %div3A_67 = arith.divf %exp3A_47, %add3A_66 : vector<16xf32>
    %div3A_68 = arith.divf %exp3A_49, %add3A_66 : vector<16xf32>
    %div3A_69 = arith.divf %exp3A_51, %add3A_66 : vector<16xf32>
    %div3A_70 = arith.divf %exp3A_53, %add3A_66 : vector<16xf32>
    %div3A_71 = arith.divf %exp3A_55, %add3A_66 : vector<16xf32>
    %div3A_72 = arith.divf %exp3A_57, %add3A_66 : vector<16xf32>
    %div3A_73 = arith.divf %exp3A_59, %add3A_66 : vector<16xf32>
    %broadcast_in_dim3A = arith.constant 1.000000e+00 : f32
    %broadcast_in_dim3A_74 = vector.broadcast %broadcast_in_dim3A : f32 to vector<16xf32>
    %broadcast_in_dim3A_75 = arith.constant 0.000000e+00 : f32
    %broadcast_in_dim3A_76 = vector.broadcast %broadcast_in_dim3A_75 : f32 to vector<16xf32>
    %max3A_77 = arith.maximumf %div3A, %div3A_67 : vector<16xf32>
    %max3A_78 = arith.maximumf %max3A_77, %div3A_68 : vector<16xf32>
    %max3A_79 = arith.maximumf %max3A_78, %div3A_69 : vector<16xf32>
    %max3A_80 = arith.maximumf %max3A_79, %div3A_70 : vector<16xf32>
    %max3A_81 = arith.maximumf %max3A_80, %div3A_71 : vector<16xf32>
    %max3A_82 = arith.maximumf %max3A_81, %div3A_72 : vector<16xf32>
    %max3A_83 = arith.maximumf %max3A_82, %div3A_73 : vector<16xf32>
    %eq3A = arith.cmpf oeq, %div3A, %max3A_83 : vector<16xf32>
    %select_n3A = arith.select %eq3A, %broadcast_in_dim3A_74, %broadcast_in_dim3A_76 : vector<16xi1>, vector<16xf32>
    %sub3A_84 = arith.subf %broadcast_in_dim3A_74, %broadcast_in_dim3A_76 : vector<16xf32>
    %mul3A_85 = arith.mulf %select_n3A, %sub3A_84 : vector<16xf32>
    %add3A_86 = arith.addf %broadcast_in_dim3A_76, %mul3A_85 : vector<16xf32>
    %eq3A_87 = arith.cmpf oeq, %div3A_67, %max3A_83 : vector<16xf32>
    %select_n3A_88 = arith.select %eq3A_87, %broadcast_in_dim3A_74, %broadcast_in_dim3A_76 : vector<16xi1>, vector<16xf32>
    %sub3A_89 = arith.subf %broadcast_in_dim3A_74, %add3A_86 : vector<16xf32>
    %mul3A_90 = arith.mulf %select_n3A_88, %sub3A_89 : vector<16xf32>
    %add3A_91 = arith.addf %add3A_86, %mul3A_90 : vector<16xf32>
    %eq3A_92 = arith.cmpf oeq, %div3A_68, %max3A_83 : vector<16xf32>
    %select_n3A_93 = arith.select %eq3A_92, %broadcast_in_dim3A_74, %broadcast_in_dim3A_76 : vector<16xi1>, vector<16xf32>
    %sub3A_94 = arith.subf %broadcast_in_dim3A_74, %add3A_91 : vector<16xf32>
    %mul3A_95 = arith.mulf %select_n3A_93, %sub3A_94 : vector<16xf32>
    %add3A_96 = arith.addf %add3A_91, %mul3A_95 : vector<16xf32>
    %eq3A_97 = arith.cmpf oeq, %div3A_69, %max3A_83 : vector<16xf32>
    %select_n3A_98 = arith.select %eq3A_97, %broadcast_in_dim3A_74, %broadcast_in_dim3A_76 : vector<16xi1>, vector<16xf32>
    %sub3A_99 = arith.subf %broadcast_in_dim3A_74, %add3A_96 : vector<16xf32>
    %mul3A_100 = arith.mulf %select_n3A_98, %sub3A_99 : vector<16xf32>
    %add3A_101 = arith.addf %add3A_96, %mul3A_100 : vector<16xf32>
    %eq3A_102 = arith.cmpf oeq, %div3A_70, %max3A_83 : vector<16xf32>
    %select_n3A_103 = arith.select %eq3A_102, %broadcast_in_dim3A_74, %broadcast_in_dim3A_76 : vector<16xi1>, vector<16xf32>
    %sub3A_104 = arith.subf %broadcast_in_dim3A_74, %add3A_101 : vector<16xf32>
    %mul3A_105 = arith.mulf %select_n3A_103, %sub3A_104 : vector<16xf32>
    %add3A_106 = arith.addf %add3A_101, %mul3A_105 : vector<16xf32>
    %eq3A_107 = arith.cmpf oeq, %div3A_71, %max3A_83 : vector<16xf32>
    %select_n3A_108 = arith.select %eq3A_107, %broadcast_in_dim3A_74, %broadcast_in_dim3A_76 : vector<16xi1>, vector<16xf32>
    %sub3A_109 = arith.subf %broadcast_in_dim3A_74, %add3A_106 : vector<16xf32>
    %mul3A_110 = arith.mulf %select_n3A_108, %sub3A_109 : vector<16xf32>
    %add3A_111 = arith.addf %add3A_106, %mul3A_110 : vector<16xf32>
    %eq3A_112 = arith.cmpf oeq, %div3A_72, %max3A_83 : vector<16xf32>
    %select_n3A_113 = arith.select %eq3A_112, %broadcast_in_dim3A_74, %broadcast_in_dim3A_76 : vector<16xi1>, vector<16xf32>
    %sub3A_114 = arith.subf %broadcast_in_dim3A_74, %add3A_111 : vector<16xf32>
    %mul3A_115 = arith.mulf %select_n3A_113, %sub3A_114 : vector<16xf32>
    %add3A_116 = arith.addf %add3A_111, %mul3A_115 : vector<16xf32>
    %eq3A_117 = arith.cmpf oeq, %div3A_73, %max3A_83 : vector<16xf32>
    %select_n3A_118 = arith.select %eq3A_117, %broadcast_in_dim3A_74, %broadcast_in_dim3A_76 : vector<16xi1>, vector<16xf32>
    %sub3A_119 = arith.subf %broadcast_in_dim3A_74, %add3A_116 : vector<16xf32>
    %mul3A_120 = arith.mulf %select_n3A_118, %sub3A_119 : vector<16xf32>
    %add3A_121 = arith.addf %add3A_116, %mul3A_120 : vector<16xf32>
    %add3A_122 = arith.constant 1.000000e+00 : f32
    %add3A_123 = vector.broadcast %add3A_122 : f32 to vector<16xf32>
    %add3A_124 = arith.addf %div3A, %add3A_123 : vector<16xf32>
    %mul3A_125 = arith.mulf %mul3A_85, %add3A_124 : vector<16xf32>
    %sub3A_126 = arith.subf %div3A, %mul3A_125 : vector<16xf32>
    %add3A_127 = arith.constant 1.000000e+00 : f32
    %add3A_128 = vector.broadcast %add3A_127 : f32 to vector<16xf32>
    %add3A_129 = arith.addf %div3A_67, %add3A_128 : vector<16xf32>
    %mul3A_130 = arith.mulf %mul3A_90, %add3A_129 : vector<16xf32>
    %sub3A_131 = arith.subf %div3A_67, %mul3A_130 : vector<16xf32>
    %add3A_132 = arith.constant 1.000000e+00 : f32
    %add3A_133 = vector.broadcast %add3A_132 : f32 to vector<16xf32>
    %add3A_134 = arith.addf %div3A_68, %add3A_133 : vector<16xf32>
    %mul3A_135 = arith.mulf %mul3A_95, %add3A_134 : vector<16xf32>
    %sub3A_136 = arith.subf %div3A_68, %mul3A_135 : vector<16xf32>
    %add3A_137 = arith.constant 1.000000e+00 : f32
    %add3A_138 = vector.broadcast %add3A_137 : f32 to vector<16xf32>
    %add3A_139 = arith.addf %div3A_69, %add3A_138 : vector<16xf32>
    %mul3A_140 = arith.mulf %mul3A_100, %add3A_139 : vector<16xf32>
    %sub3A_141 = arith.subf %div3A_69, %mul3A_140 : vector<16xf32>
    %add3A_142 = arith.constant 1.000000e+00 : f32
    %add3A_143 = vector.broadcast %add3A_142 : f32 to vector<16xf32>
    %add3A_144 = arith.addf %div3A_70, %add3A_143 : vector<16xf32>
    %mul3A_145 = arith.mulf %mul3A_105, %add3A_144 : vector<16xf32>
    %sub3A_146 = arith.subf %div3A_70, %mul3A_145 : vector<16xf32>
    %add3A_147 = arith.constant 1.000000e+00 : f32
    %add3A_148 = vector.broadcast %add3A_147 : f32 to vector<16xf32>
    %add3A_149 = arith.addf %div3A_71, %add3A_148 : vector<16xf32>
    %mul3A_150 = arith.mulf %mul3A_110, %add3A_149 : vector<16xf32>
    %sub3A_151 = arith.subf %div3A_71, %mul3A_150 : vector<16xf32>
    %add3A_152 = arith.constant 1.000000e+00 : f32
    %add3A_153 = vector.broadcast %add3A_152 : f32 to vector<16xf32>
    %add3A_154 = arith.addf %div3A_72, %add3A_153 : vector<16xf32>
    %mul3A_155 = arith.mulf %mul3A_115, %add3A_154 : vector<16xf32>
    %sub3A_156 = arith.subf %div3A_72, %mul3A_155 : vector<16xf32>
    %add3A_157 = arith.constant 1.000000e+00 : f32
    %add3A_158 = vector.broadcast %add3A_157 : f32 to vector<16xf32>
    %add3A_159 = arith.addf %div3A_73, %add3A_158 : vector<16xf32>
    %mul3A_160 = arith.mulf %mul3A_120, %add3A_159 : vector<16xf32>
    %sub3A_161 = arith.subf %div3A_73, %mul3A_160 : vector<16xf32>
    %max3A_162 = arith.maximumf %sub3A_126, %sub3A_131 : vector<16xf32>
    %max3A_163 = arith.maximumf %max3A_162, %sub3A_136 : vector<16xf32>
    %max3A_164 = arith.maximumf %max3A_163, %sub3A_141 : vector<16xf32>
    %max3A_165 = arith.maximumf %max3A_164, %sub3A_146 : vector<16xf32>
    %max3A_166 = arith.maximumf %max3A_165, %sub3A_151 : vector<16xf32>
    %max3A_167 = arith.maximumf %max3A_166, %sub3A_156 : vector<16xf32>
    %max3A_168 = arith.maximumf %max3A_167, %sub3A_161 : vector<16xf32>
    %eq3A_169 = arith.cmpf oeq, %sub3A_126, %max3A_168 : vector<16xf32>
    %select_n3A_170 = arith.select %eq3A_169, %broadcast_in_dim3A_74, %broadcast_in_dim3A_76 : vector<16xi1>, vector<16xf32>
    %sub3A_171 = arith.subf %broadcast_in_dim3A_74, %broadcast_in_dim3A_76 : vector<16xf32>
    %mul3A_172 = arith.mulf %select_n3A_170, %sub3A_171 : vector<16xf32>
    %add3A_173 = arith.addf %broadcast_in_dim3A_76, %mul3A_172 : vector<16xf32>
    %eq3A_174 = arith.cmpf oeq, %sub3A_131, %max3A_168 : vector<16xf32>
    %select_n3A_175 = arith.select %eq3A_174, %broadcast_in_dim3A_74, %broadcast_in_dim3A_76 : vector<16xi1>, vector<16xf32>
    %sub3A_176 = arith.subf %broadcast_in_dim3A_74, %add3A_173 : vector<16xf32>
    %mul3A_177 = arith.mulf %select_n3A_175, %sub3A_176 : vector<16xf32>
    %add3A_178 = arith.addf %add3A_173, %mul3A_177 : vector<16xf32>
    %eq3A_179 = arith.cmpf oeq, %sub3A_136, %max3A_168 : vector<16xf32>
    %select_n3A_180 = arith.select %eq3A_179, %broadcast_in_dim3A_74, %broadcast_in_dim3A_76 : vector<16xi1>, vector<16xf32>
    %sub3A_181 = arith.subf %broadcast_in_dim3A_74, %add3A_178 : vector<16xf32>
    %mul3A_182 = arith.mulf %select_n3A_180, %sub3A_181 : vector<16xf32>
    %add3A_183 = arith.addf %add3A_178, %mul3A_182 : vector<16xf32>
    %eq3A_184 = arith.cmpf oeq, %sub3A_141, %max3A_168 : vector<16xf32>
    %select_n3A_185 = arith.select %eq3A_184, %broadcast_in_dim3A_74, %broadcast_in_dim3A_76 : vector<16xi1>, vector<16xf32>
    %sub3A_186 = arith.subf %broadcast_in_dim3A_74, %add3A_183 : vector<16xf32>
    %mul3A_187 = arith.mulf %select_n3A_185, %sub3A_186 : vector<16xf32>
    %add3A_188 = arith.addf %add3A_183, %mul3A_187 : vector<16xf32>
    %eq3A_189 = arith.cmpf oeq, %sub3A_146, %max3A_168 : vector<16xf32>
    %select_n3A_190 = arith.select %eq3A_189, %broadcast_in_dim3A_74, %broadcast_in_dim3A_76 : vector<16xi1>, vector<16xf32>
    %sub3A_191 = arith.subf %broadcast_in_dim3A_74, %add3A_188 : vector<16xf32>
    %mul3A_192 = arith.mulf %select_n3A_190, %sub3A_191 : vector<16xf32>
    %add3A_193 = arith.addf %add3A_188, %mul3A_192 : vector<16xf32>
    %eq3A_194 = arith.cmpf oeq, %sub3A_151, %max3A_168 : vector<16xf32>
    %select_n3A_195 = arith.select %eq3A_194, %broadcast_in_dim3A_74, %broadcast_in_dim3A_76 : vector<16xi1>, vector<16xf32>
    %sub3A_196 = arith.subf %broadcast_in_dim3A_74, %add3A_193 : vector<16xf32>
    %mul3A_197 = arith.mulf %select_n3A_195, %sub3A_196 : vector<16xf32>
    %add3A_198 = arith.addf %add3A_193, %mul3A_197 : vector<16xf32>
    %eq3A_199 = arith.cmpf oeq, %sub3A_156, %max3A_168 : vector<16xf32>
    %select_n3A_200 = arith.select %eq3A_199, %broadcast_in_dim3A_74, %broadcast_in_dim3A_76 : vector<16xi1>, vector<16xf32>
    %sub3A_201 = arith.subf %broadcast_in_dim3A_74, %add3A_198 : vector<16xf32>
    %mul3A_202 = arith.mulf %select_n3A_200, %sub3A_201 : vector<16xf32>
    %add3A_203 = arith.addf %add3A_198, %mul3A_202 : vector<16xf32>
    %eq3A_204 = arith.cmpf oeq, %sub3A_161, %max3A_168 : vector<16xf32>
    %select_n3A_205 = arith.select %eq3A_204, %broadcast_in_dim3A_74, %broadcast_in_dim3A_76 : vector<16xi1>, vector<16xf32>
    %sub3A_206 = arith.subf %broadcast_in_dim3A_74, %add3A_203 : vector<16xf32>
    %mul3A_207 = arith.mulf %select_n3A_205, %sub3A_206 : vector<16xf32>
    %add3A_208 = arith.addf %add3A_203, %mul3A_207 : vector<16xf32>
    %add3A_209 = arith.addf %max3A_83, %max3A_168 : vector<16xf32>
    %mul3A_210 = arith.mulf %mul3A_85, %max3A_83 : vector<16xf32>
    %mul3A_211 = arith.mulf %mul3A_172, %max3A_168 : vector<16xf32>
    %add3A_212 = arith.addf %mul3A_210, %mul3A_211 : vector<16xf32>
    %div3A_213 = arith.divf %add3A_212, %add3A_209 : vector<16xf32>
    %swap3A = arith.constant 0 : i32
    %swap3A_214 = arith.index_cast %swap3A : i32 to index
    %swap3A_215 = arith.constant 0 : index
    %swap3A_216 = tpu.vector_load %arg5[%swap3A_214, %swap3A_215] {strides = array<i32>} : memref<8x32xf32, #tpu.memory_space<vmem>>, vector<1x16xf32>,
    %swap3A_217 = vector.shape_cast %swap3A_216 : vector<1x16xf32> to vector<16xf32>
    %swap3A_218 = vector.shape_cast %div3A_213 : vector<16xf32> to vector<1x16xf32>
    tpu.vector_store %arg5[%swap3A_214, %swap3A_215], %swap3A_218 {strides = array<i32>} : memref<8x32xf32, #tpu.memory_space<vmem>>, vector<1x16xf32>,
    %mul3A_219 = arith.mulf %mul3A_90, %max3A_83 : vector<16xf32>
    %mul3A_220 = arith.mulf %mul3A_177, %max3A_168 : vector<16xf32>
    %add3A_221 = arith.addf %mul3A_219, %mul3A_220 : vector<16xf32>
    %div3A_222 = arith.divf %add3A_221, %add3A_209 : vector<16xf32>
    %swap3A_223 = arith.constant 1 : i32
    %swap3A_224 = arith.index_cast %swap3A_223 : i32 to index
    %swap3A_225 = arith.constant 0 : index
    %swap3A_226 = tpu.vector_load %arg5[%swap3A_224, %swap3A_225] {strides = array<i32>} : memref<8x32xf32, #tpu.memory_space<vmem>>, vector<1x16xf32>,
    %swap3A_227 = vector.shape_cast %swap3A_226 : vector<1x16xf32> to vector<16xf32>
    %swap3A_228 = vector.shape_cast %div3A_222 : vector<16xf32> to vector<1x16xf32>
    tpu.vector_store %arg5[%swap3A_224, %swap3A_225], %swap3A_228 {strides = array<i32>} : memref<8x32xf32, #tpu.memory_space<vmem>>, vector<1x16xf32>,
    %mul3A_229 = arith.mulf %mul3A_95, %max3A_83 : vector<16xf32>
    %mul3A_230 = arith.mulf %mul3A_182, %max3A_168 : vector<16xf32>
    %add3A_231 = arith.addf %mul3A_229, %mul3A_230 : vector<16xf32>
    %div3A_232 = arith.divf %add3A_231, %add3A_209 : vector<16xf32>
    %swap3A_233 = arith.constant 2 : i32
    %swap3A_234 = arith.index_cast %swap3A_233 : i32 to index
    %swap3A_235 = arith.constant 0 : index
    %swap3A_236 = tpu.vector_load %arg5[%swap3A_234, %swap3A_235] {strides = array<i32>} : memref<8x32xf32, #tpu.memory_space<vmem>>, vector<1x16xf32>,
    %swap3A_237 = vector.shape_cast %swap3A_236 : vector<1x16xf32> to vector<16xf32>
    %swap3A_238 = vector.shape_cast %div3A_232 : vector<16xf32> to vector<1x16xf32>
    tpu.vector_store %arg5[%swap3A_234, %swap3A_235], %swap3A_238 {strides = array<i32>} : memref<8x32xf32, #tpu.memory_space<vmem>>, vector<1x16xf32>,
    %mul3A_239 = arith.mulf %mul3A_100, %max3A_83 : vector<16xf32>
    %mul3A_240 = arith.mulf %mul3A_187, %max3A_168 : vector<16xf32>
    %add3A_241 = arith.addf %mul3A_239, %mul3A_240 : vector<16xf32>
    %div3A_242 = arith.divf %add3A_241, %add3A_209 : vector<16xf32>
    %swap3A_243 = arith.constant 3 : i32
    %swap3A_244 = arith.index_cast %swap3A_243 : i32 to index
    %swap3A_245 = arith.constant 0 : index
    %swap3A_246 = tpu.vector_load %arg5[%swap3A_244, %swap3A_245] {strides = array<i32>} : memref<8x32xf32, #tpu.memory_space<vmem>>, vector<1x16xf32>,
    %swap3A_247 = vector.shape_cast %swap3A_246 : vector<1x16xf32> to vector<16xf32>
    %swap3A_248 = vector.shape_cast %div3A_242 : vector<16xf32> to vector<1x16xf32>
    tpu.vector_store %arg5[%swap3A_244, %swap3A_245], %swap3A_248 {strides = array<i32>} : memref<8x32xf32, #tpu.memory_space<vmem>>, vector<1x16xf32>,
    %mul3A_249 = arith.mulf %mul3A_105, %max3A_83 : vector<16xf32>
    %mul3A_250 = arith.mulf %mul3A_192, %max3A_168 : vector<16xf32>
    %add3A_251 = arith.addf %mul3A_249, %mul3A_250 : vector<16xf32>
    %div3A_252 = arith.divf %add3A_251, %add3A_209 : vector<16xf32>
    %swap3A_253 = arith.constant 4 : i32
    %swap3A_254 = arith.index_cast %swap3A_253 : i32 to index
    %swap3A_255 = arith.constant 0 : index
    %swap3A_256 = tpu.vector_load %arg5[%swap3A_254, %swap3A_255] {strides = array<i32>} : memref<8x32xf32, #tpu.memory_space<vmem>>, vector<1x16xf32>,
    %swap3A_257 = vector.shape_cast %swap3A_256 : vector<1x16xf32> to vector<16xf32>
    %swap3A_258 = vector.shape_cast %div3A_252 : vector<16xf32> to vector<1x16xf32>
    tpu.vector_store %arg5[%swap3A_254, %swap3A_255], %swap3A_258 {strides = array<i32>} : memref<8x32xf32, #tpu.memory_space<vmem>>, vector<1x16xf32>,
    %mul3A_259 = arith.mulf %mul3A_110, %max3A_83 : vector<16xf32>
    %mul3A_260 = arith.mulf %mul3A_197, %max3A_168 : vector<16xf32>
    %add3A_261 = arith.addf %mul3A_259, %mul3A_260 : vector<16xf32>
    %div3A_262 = arith.divf %add3A_261, %add3A_209 : vector<16xf32>
    %swap3A_263 = arith.constant 5 : i32
    %swap3A_264 = arith.index_cast %swap3A_263 : i32 to index
    %swap3A_265 = arith.constant 0 : index
    %swap3A_266 = tpu.vector_load %arg5[%swap3A_264, %swap3A_265] {strides = array<i32>} : memref<8x32xf32, #tpu.memory_space<vmem>>, vector<1x16xf32>,
    %swap3A_267 = vector.shape_cast %swap3A_266 : vector<1x16xf32> to vector<16xf32>
    %swap3A_268 = vector.shape_cast %div3A_262 : vector<16xf32> to vector<1x16xf32>
    tpu.vector_store %arg5[%swap3A_264, %swap3A_265], %swap3A_268 {strides = array<i32>} : memref<8x32xf32, #tpu.memory_space<vmem>>, vector<1x16xf32>,
    %mul3A_269 = arith.mulf %mul3A_115, %max3A_83 : vector<16xf32>
    %mul3A_270 = arith.mulf %mul3A_202, %max3A_168 : vector<16xf32>
    %add3A_271 = arith.addf %mul3A_269, %mul3A_270 : vector<16xf32>
    %div3A_272 = arith.divf %add3A_271, %add3A_209 : vector<16xf32>
    %swap3A_273 = arith.constant 6 : i32
    %swap3A_274 = arith.index_cast %swap3A_273 : i32 to index
    %swap3A_275 = arith.constant 0 : index
    %swap3A_276 = tpu.vector_load %arg5[%swap3A_274, %swap3A_275] {strides = array<i32>} : memref<8x32xf32, #tpu.memory_space<vmem>>, vector<1x16xf32>,
    %swap3A_277 = vector.shape_cast %swap3A_276 : vector<1x16xf32> to vector<16xf32>
    %swap3A_278 = vector.shape_cast %div3A_272 : vector<16xf32> to vector<1x16xf32>
    tpu.vector_store %arg5[%swap3A_274, %swap3A_275], %swap3A_278 {strides = array<i32>} : memref<8x32xf32, #tpu.memory_space<vmem>>, vector<1x16xf32>,
    %mul3A_279 = arith.mulf %mul3A_120, %max3A_83 : vector<16xf32>
    %mul3A_280 = arith.mulf %mul3A_207, %max3A_168 : vector<16xf32>
    %add3A_281 = arith.addf %mul3A_279, %mul3A_280 : vector<16xf32>
    %div3A_282 = arith.divf %add3A_281, %add3A_209 : vector<16xf32>
    %swap3A_283 = arith.constant 7 : i32
    %swap3A_284 = arith.index_cast %swap3A_283 : i32 to index
    %swap3A_285 = arith.constant 0 : index
    %swap3A_286 = tpu.vector_load %arg5[%swap3A_284, %swap3A_285] {strides = array<i32>} : memref<8x32xf32, #tpu.memory_space<vmem>>, vector<1x16xf32>,
    %swap3A_287 = vector.shape_cast %swap3A_286 : vector<1x16xf32> to vector<16xf32>
    %swap3A_288 = vector.shape_cast %div3A_282 : vector<16xf32> to vector<1x16xf32>
    tpu.vector_store %arg5[%swap3A_284, %swap3A_285], %swap3A_288 {strides = array<i32>} : memref<8x32xf32, #tpu.memory_space<vmem>>, vector<1x16xf32>,
    %get3A_289 = arith.constant 0 : i32
    %get3A_290 = arith.index_cast %get3A_289 : i32 to index
    %get3A_291 = arith.constant 16 : index
    %get3A_292 = tpu.vector_load %arg4[%get3A_290, %get3A_291] {strides = array<i32>} : memref<8x32xf32, #tpu.memory_space<vmem>>, vector<1x16xf32>,
    %get3A_293 = vector.shape_cast %get3A_292 : vector<1x16xf32> to vector<16xf32>
    %get3A_294 = arith.constant 1 : i32
    %get3A_295 = arith.index_cast %get3A_294 : i32 to index
    %get3A_296 = arith.constant 16 : index
    %get3A_297 = tpu.vector_load %arg4[%get3A_295, %get3A_296] {strides = array<i32>} : memref<8x32xf32, #tpu.memory_space<vmem>>, vector<1x16xf32>,
    %get3A_298 = vector.shape_cast %get3A_297 : vector<1x16xf32> to vector<16xf32>
    %get3A_299 = arith.constant 2 : i32
    %get3A_300 = arith.index_cast %get3A_299 : i32 to index
    %get3A_301 = arith.constant 16 : index
    %get3A_302 = tpu.vector_load %arg4[%get3A_300, %get3A_301] {strides = array<i32>} : memref<8x32xf32, #tpu.memory_space<vmem>>, vector<1x16xf32>,
    %get3A_303 = vector.shape_cast %get3A_302 : vector<1x16xf32> to vector<16xf32>
    %get3A_304 = arith.constant 3 : i32
    %get3A_305 = arith.index_cast %get3A_304 : i32 to index
    %get3A_306 = arith.constant 16 : index
    %get3A_307 = tpu.vector_load %arg4[%get3A_305, %get3A_306] {strides = array<i32>} : memref<8x32xf32, #tpu.memory_space<vmem>>, vector<1x16xf32>,
    %get3A_308 = vector.shape_cast %get3A_307 : vector<1x16xf32> to vector<16xf32>
    %get3A_309 = arith.constant 4 : i32
    %get3A_310 = arith.index_cast %get3A_309 : i32 to index
    %get3A_311 = arith.constant 16 : index
    %get3A_312 = tpu.vector_load %arg4[%get3A_310, %get3A_311] {strides = array<i32>} : memref<8x32xf32, #tpu.memory_space<vmem>>, vector<1x16xf32>,
    %get3A_313 = vector.shape_cast %get3A_312 : vector<1x16xf32> to vector<16xf32>
    %get3A_314 = arith.constant 5 : i32
    %get3A_315 = arith.index_cast %get3A_314 : i32 to index
    %get3A_316 = arith.constant 16 : index
    %get3A_317 = tpu.vector_load %arg4[%get3A_315, %get3A_316] {strides = array<i32>} : memref<8x32xf32, #tpu.memory_space<vmem>>, vector<1x16xf32>,
    %get3A_318 = vector.shape_cast %get3A_317 : vector<1x16xf32> to vector<16xf32>
    %get3A_319 = arith.constant 6 : i32
    %get3A_320 = arith.index_cast %get3A_319 : i32 to index
    %get3A_321 = arith.constant 16 : index
    %get3A_322 = tpu.vector_load %arg4[%get3A_320, %get3A_321] {strides = array<i32>} : memref<8x32xf32, #tpu.memory_space<vmem>>, vector<1x16xf32>,
    %get3A_323 = vector.shape_cast %get3A_322 : vector<1x16xf32> to vector<16xf32>
    %get3A_324 = arith.constant 7 : i32
    %get3A_325 = arith.index_cast %get3A_324 : i32 to index
    %get3A_326 = arith.constant 16 : index
    %get3A_327 = tpu.vector_load %arg4[%get3A_325, %get3A_326] {strides = array<i32>} : memref<8x32xf32, #tpu.memory_space<vmem>>, vector<1x16xf32>,
    %get3A_328 = vector.shape_cast %get3A_327 : vector<1x16xf32> to vector<16xf32>
    %max3A_329 = arith.maximumf %get3A_293, %get3A_298 : vector<16xf32>
    %max3A_330 = arith.maximumf %max3A_329, %get3A_303 : vector<16xf32>
    %max3A_331 = arith.maximumf %max3A_330, %get3A_308 : vector<16xf32>
    %max3A_332 = arith.maximumf %max3A_331, %get3A_313 : vector<16xf32>
    %max3A_333 = arith.maximumf %max3A_332, %get3A_318 : vector<16xf32>
    %max3A_334 = arith.maximumf %max3A_333, %get3A_323 : vector<16xf32>
    %max3A_335 = arith.maximumf %max3A_334, %get3A_328 : vector<16xf32>
    %sub3A_336 = arith.subf %get3A_293, %max3A_335 : vector<16xf32>
    %exp3A_337 = math.exp %sub3A_336 : vector<16xf32>
    %sub3A_338 = arith.subf %get3A_298, %max3A_335 : vector<16xf32>
    %exp3A_339 = math.exp %sub3A_338 : vector<16xf32>
    %sub3A_340 = arith.subf %get3A_303, %max3A_335 : vector<16xf32>
    %exp3A_341 = math.exp %sub3A_340 : vector<16xf32>
    %sub3A_342 = arith.subf %get3A_308, %max3A_335 : vector<16xf32>
    %exp3A_343 = math.exp %sub3A_342 : vector<16xf32>
    %sub3A_344 = arith.subf %get3A_313, %max3A_335 : vector<16xf32>
    %exp3A_345 = math.exp %sub3A_344 : vector<16xf32>
    %sub3A_346 = arith.subf %get3A_318, %max3A_335 : vector<16xf32>
    %exp3A_347 = math.exp %sub3A_346 : vector<16xf32>
    %sub3A_348 = arith.subf %get3A_323, %max3A_335 : vector<16xf32>
    %exp3A_349 = math.exp %sub3A_348 : vector<16xf32>
    %sub3A_350 = arith.subf %get3A_328, %max3A_335 : vector<16xf32>
    %exp3A_351 = math.exp %sub3A_350 : vector<16xf32>
    %add3A_352 = arith.addf %exp3A_337, %exp3A_339 : vector<16xf32>
    %add3A_353 = arith.addf %add3A_352, %exp3A_341 : vector<16xf32>
    %add3A_354 = arith.addf %add3A_353, %exp3A_343 : vector<16xf32>
    %add3A_355 = arith.addf %add3A_354, %exp3A_345 : vector<16xf32>
    %add3A_356 = arith.addf %add3A_355, %exp3A_347 : vector<16xf32>
    %add3A_357 = arith.addf %add3A_356, %exp3A_349 : vector<16xf32>
    %add3A_358 = arith.addf %add3A_357, %exp3A_351 : vector<16xf32>
    %div3A_359 = arith.divf %exp3A_337, %add3A_358 : vector<16xf32>
    %div3A_360 = arith.divf %exp3A_339, %add3A_358 : vector<16xf32>
    %div3A_361 = arith.divf %exp3A_341, %add3A_358 : vector<16xf32>
    %div3A_362 = arith.divf %exp3A_343, %add3A_358 : vector<16xf32>
    %div3A_363 = arith.divf %exp3A_345, %add3A_358 : vector<16xf32>
    %div3A_364 = arith.divf %exp3A_347, %add3A_358 : vector<16xf32>
    %div3A_365 = arith.divf %exp3A_349, %add3A_358 : vector<16xf32>
    %div3A_366 = arith.divf %exp3A_351, %add3A_358 : vector<16xf32>
    %broadcast_in_dim3A_367 = arith.constant 1.000000e+00 : f32
    %broadcast_in_dim3A_368 = vector.broadcast %broadcast_in_dim3A_367 : f32 to vector<16xf32>
    %broadcast_in_dim3A_369 = arith.constant 0.000000e+00 : f32
    %broadcast_in_dim3A_370 = vector.broadcast %broadcast_in_dim3A_369 : f32 to vector<16xf32>
    %max3A_371 = arith.maximumf %div3A_359, %div3A_360 : vector<16xf32>
    %max3A_372 = arith.maximumf %max3A_371, %div3A_361 : vector<16xf32>
    %max3A_373 = arith.maximumf %max3A_372, %div3A_362 : vector<16xf32>
    %max3A_374 = arith.maximumf %max3A_373, %div3A_363 : vector<16xf32>
    %max3A_375 = arith.maximumf %max3A_374, %div3A_364 : vector<16xf32>
    %max3A_376 = arith.maximumf %max3A_375, %div3A_365 : vector<16xf32>
    %max3A_377 = arith.maximumf %max3A_376, %div3A_366 : vector<16xf32>
    %eq3A_378 = arith.cmpf oeq, %div3A_359, %max3A_377 : vector<16xf32>
    %select_n3A_379 = arith.select %eq3A_378, %broadcast_in_dim3A_368, %broadcast_in_dim3A_370 : vector<16xi1>, vector<16xf32>
    %sub3A_380 = arith.subf %broadcast_in_dim3A_368, %broadcast_in_dim3A_370 : vector<16xf32>
    %mul3A_381 = arith.mulf %select_n3A_379, %sub3A_380 : vector<16xf32>
    %add3A_382 = arith.addf %broadcast_in_dim3A_370, %mul3A_381 : vector<16xf32>
    %eq3A_383 = arith.cmpf oeq, %div3A_360, %max3A_377 : vector<16xf32>
    %select_n3A_384 = arith.select %eq3A_383, %broadcast_in_dim3A_368, %broadcast_in_dim3A_370 : vector<16xi1>, vector<16xf32>
    %sub3A_385 = arith.subf %broadcast_in_dim3A_368, %add3A_382 : vector<16xf32>
    %mul3A_386 = arith.mulf %select_n3A_384, %sub3A_385 : vector<16xf32>
    %add3A_387 = arith.addf %add3A_382, %mul3A_386 : vector<16xf32>
    %eq3A_388 = arith.cmpf oeq, %div3A_361, %max3A_377 : vector<16xf32>
    %select_n3A_389 = arith.select %eq3A_388, %broadcast_in_dim3A_368, %broadcast_in_dim3A_370 : vector<16xi1>, vector<16xf32>
    %sub3A_390 = arith.subf %broadcast_in_dim3A_368, %add3A_387 : vector<16xf32>
    %mul3A_391 = arith.mulf %select_n3A_389, %sub3A_390 : vector<16xf32>
    %add3A_392 = arith.addf %add3A_387, %mul3A_391 : vector<16xf32>
    %eq3A_393 = arith.cmpf oeq, %div3A_362, %max3A_377 : vector<16xf32>
    %select_n3A_394 = arith.select %eq3A_393, %broadcast_in_dim3A_368, %broadcast_in_dim3A_370 : vector<16xi1>, vector<16xf32>
    %sub3A_395 = arith.subf %broadcast_in_dim3A_368, %add3A_392 : vector<16xf32>
    %mul3A_396 = arith.mulf %select_n3A_394, %sub3A_395 : vector<16xf32>
    %add3A_397 = arith.addf %add3A_392, %mul3A_396 : vector<16xf32>
    %eq3A_398 = arith.cmpf oeq, %div3A_363, %max3A_377 : vector<16xf32>
    %select_n3A_399 = arith.select %eq3A_398, %broadcast_in_dim3A_368, %broadcast_in_dim3A_370 : vector<16xi1>, vector<16xf32>
    %sub3A_400 = arith.subf %broadcast_in_dim3A_368, %add3A_397 : vector<16xf32>
    %mul3A_401 = arith.mulf %select_n3A_399, %sub3A_400 : vector<16xf32>
    %add3A_402 = arith.addf %add3A_397, %mul3A_401 : vector<16xf32>
    %eq3A_403 = arith.cmpf oeq, %div3A_364, %max3A_377 : vector<16xf32>
    %select_n3A_404 = arith.select %eq3A_403, %broadcast_in_dim3A_368, %broadcast_in_dim3A_370 : vector<16xi1>, vector<16xf32>
    %sub3A_405 = arith.subf %broadcast_in_dim3A_368, %add3A_402 : vector<16xf32>
    %mul3A_406 = arith.mulf %select_n3A_404, %sub3A_405 : vector<16xf32>
    %add3A_407 = arith.addf %add3A_402, %mul3A_406 : vector<16xf32>
    %eq3A_408 = arith.cmpf oeq, %div3A_365, %max3A_377 : vector<16xf32>
    %select_n3A_409 = arith.select %eq3A_408, %broadcast_in_dim3A_368, %broadcast_in_dim3A_370 : vector<16xi1>, vector<16xf32>
    %sub3A_410 = arith.subf %broadcast_in_dim3A_368, %add3A_407 : vector<16xf32>
    %mul3A_411 = arith.mulf %select_n3A_409, %sub3A_410 : vector<16xf32>
    %add3A_412 = arith.addf %add3A_407, %mul3A_411 : vector<16xf32>
    %eq3A_413 = arith.cmpf oeq, %div3A_366, %max3A_377 : vector<16xf32>
    %select_n3A_414 = arith.select %eq3A_413, %broadcast_in_dim3A_368, %broadcast_in_dim3A_370 : vector<16xi1>, vector<16xf32>
    %sub3A_415 = arith.subf %broadcast_in_dim3A_368, %add3A_412 : vector<16xf32>
    %mul3A_416 = arith.mulf %select_n3A_414, %sub3A_415 : vector<16xf32>
    %add3A_417 = arith.addf %add3A_412, %mul3A_416 : vector<16xf32>
    %add3A_418 = arith.constant 1.000000e+00 : f32
    %add3A_419 = vector.broadcast %add3A_418 : f32 to vector<16xf32>
    %add3A_420 = arith.addf %div3A_359, %add3A_419 : vector<16xf32>
    %mul3A_421 = arith.mulf %mul3A_381, %add3A_420 : vector<16xf32>
    %sub3A_422 = arith.subf %div3A_359, %mul3A_421 : vector<16xf32>
    %add3A_423 = arith.constant 1.000000e+00 : f32
    %add3A_424 = vector.broadcast %add3A_423 : f32 to vector<16xf32>
    %add3A_425 = arith.addf %div3A_360, %add3A_424 : vector<16xf32>
    %mul3A_426 = arith.mulf %mul3A_386, %add3A_425 : vector<16xf32>
    %sub3A_427 = arith.subf %div3A_360, %mul3A_426 : vector<16xf32>
    %add3A_428 = arith.constant 1.000000e+00 : f32
    %add3A_429 = vector.broadcast %add3A_428 : f32 to vector<16xf32>
    %add3A_430 = arith.addf %div3A_361, %add3A_429 : vector<16xf32>
    %mul3A_431 = arith.mulf %mul3A_391, %add3A_430 : vector<16xf32>
    %sub3A_432 = arith.subf %div3A_361, %mul3A_431 : vector<16xf32>
    %add3A_433 = arith.constant 1.000000e+00 : f32
    %add3A_434 = vector.broadcast %add3A_433 : f32 to vector<16xf32>
    %add3A_435 = arith.addf %div3A_362, %add3A_434 : vector<16xf32>
    %mul3A_436 = arith.mulf %mul3A_396, %add3A_435 : vector<16xf32>
    %sub3A_437 = arith.subf %div3A_362, %mul3A_436 : vector<16xf32>
    %add3A_438 = arith.constant 1.000000e+00 : f32
    %add3A_439 = vector.broadcast %add3A_438 : f32 to vector<16xf32>
    %add3A_440 = arith.addf %div3A_363, %add3A_439 : vector<16xf32>
    %mul3A_441 = arith.mulf %mul3A_401, %add3A_440 : vector<16xf32>
    %sub3A_442 = arith.subf %div3A_363, %mul3A_441 : vector<16xf32>
    %add3A_443 = arith.constant 1.000000e+00 : f32
    %add3A_444 = vector.broadcast %add3A_443 : f32 to vector<16xf32>
    %add3A_445 = arith.addf %div3A_364, %add3A_444 : vector<16xf32>
    %mul3A_446 = arith.mulf %mul3A_406, %add3A_445 : vector<16xf32>
    %sub3A_447 = arith.subf %div3A_364, %mul3A_446 : vector<16xf32>
    %add3A_448 = arith.constant 1.000000e+00 : f32
    %add3A_449 = vector.broadcast %add3A_448 : f32 to vector<16xf32>
    %add3A_450 = arith.addf %div3A_365, %add3A_449 : vector<16xf32>
    %mul3A_451 = arith.mulf %mul3A_411, %add3A_450 : vector<16xf32>
    %sub3A_452 = arith.subf %div3A_365, %mul3A_451 : vector<16xf32>
    %add3A_453 = arith.constant 1.000000e+00 : f32
    %add3A_454 = vector.broadcast %add3A_453 : f32 to vector<16xf32>
    %add3A_455 = arith.addf %div3A_366, %add3A_454 : vector<16xf32>
    %mul3A_456 = arith.mulf %mul3A_416, %add3A_455 : vector<16xf32>
    %sub3A_457 = arith.subf %div3A_366, %mul3A_456 : vector<16xf32>
    %max3A_458 = arith.maximumf %sub3A_422, %sub3A_427 : vector<16xf32>
    %max3A_459 = arith.maximumf %max3A_458, %sub3A_432 : vector<16xf32>
    %max3A_460 = arith.maximumf %max3A_459, %sub3A_437 : vector<16xf32>
    %max3A_461 = arith.maximumf %max3A_460, %sub3A_442 : vector<16xf32>
    %max3A_462 = arith.maximumf %max3A_461, %sub3A_447 : vector<16xf32>
    %max3A_463 = arith.maximumf %max3A_462, %sub3A_452 : vector<16xf32>
    %max3A_464 = arith.maximumf %max3A_463, %sub3A_457 : vector<16xf32>
    %eq3A_465 = arith.cmpf oeq, %sub3A_422, %max3A_464 : vector<16xf32>
    %select_n3A_466 = arith.select %eq3A_465, %broadcast_in_dim3A_368, %broadcast_in_dim3A_370 : vector<16xi1>, vector<16xf32>
    %sub3A_467 = arith.subf %broadcast_in_dim3A_368, %broadcast_in_dim3A_370 : vector<16xf32>
    %mul3A_468 = arith.mulf %select_n3A_466, %sub3A_467 : vector<16xf32>
    %add3A_469 = arith.addf %broadcast_in_dim3A_370, %mul3A_468 : vector<16xf32>
    %eq3A_470 = arith.cmpf oeq, %sub3A_427, %max3A_464 : vector<16xf32>
    %select_n3A_471 = arith.select %eq3A_470, %broadcast_in_dim3A_368, %broadcast_in_dim3A_370 : vector<16xi1>, vector<16xf32>
    %sub3A_472 = arith.subf %broadcast_in_dim3A_368, %add3A_469 : vector<16xf32>
    %mul3A_473 = arith.mulf %select_n3A_471, %sub3A_472 : vector<16xf32>
    %add3A_474 = arith.addf %add3A_469, %mul3A_473 : vector<16xf32>
    %eq3A_475 = arith.cmpf oeq, %sub3A_432, %max3A_464 : vector<16xf32>
    %select_n3A_476 = arith.select %eq3A_475, %broadcast_in_dim3A_368, %broadcast_in_dim3A_370 : vector<16xi1>, vector<16xf32>
    %sub3A_477 = arith.subf %broadcast_in_dim3A_368, %add3A_474 : vector<16xf32>
    %mul3A_478 = arith.mulf %select_n3A_476, %sub3A_477 : vector<16xf32>
    %add3A_479 = arith.addf %add3A_474, %mul3A_478 : vector<16xf32>
    %eq3A_480 = arith.cmpf oeq, %sub3A_437, %max3A_464 : vector<16xf32>
    %select_n3A_481 = arith.select %eq3A_480, %broadcast_in_dim3A_368, %broadcast_in_dim3A_370 : vector<16xi1>, vector<16xf32>
    %sub3A_482 = arith.subf %broadcast_in_dim3A_368, %add3A_479 : vector<16xf32>
    %mul3A_483 = arith.mulf %select_n3A_481, %sub3A_482 : vector<16xf32>
    %add3A_484 = arith.addf %add3A_479, %mul3A_483 : vector<16xf32>
    %eq3A_485 = arith.cmpf oeq, %sub3A_442, %max3A_464 : vector<16xf32>
    %select_n3A_486 = arith.select %eq3A_485, %broadcast_in_dim3A_368, %broadcast_in_dim3A_370 : vector<16xi1>, vector<16xf32>
    %sub3A_487 = arith.subf %broadcast_in_dim3A_368, %add3A_484 : vector<16xf32>
    %mul3A_488 = arith.mulf %select_n3A_486, %sub3A_487 : vector<16xf32>
    %add3A_489 = arith.addf %add3A_484, %mul3A_488 : vector<16xf32>
    %eq3A_490 = arith.cmpf oeq, %sub3A_447, %max3A_464 : vector<16xf32>
    %select_n3A_491 = arith.select %eq3A_490, %broadcast_in_dim3A_368, %broadcast_in_dim3A_370 : vector<16xi1>, vector<16xf32>
    %sub3A_492 = arith.subf %broadcast_in_dim3A_368, %add3A_489 : vector<16xf32>
    %mul3A_493 = arith.mulf %select_n3A_491, %sub3A_492 : vector<16xf32>
    %add3A_494 = arith.addf %add3A_489, %mul3A_493 : vector<16xf32>
    %eq3A_495 = arith.cmpf oeq, %sub3A_452, %max3A_464 : vector<16xf32>
    %select_n3A_496 = arith.select %eq3A_495, %broadcast_in_dim3A_368, %broadcast_in_dim3A_370 : vector<16xi1>, vector<16xf32>
    %sub3A_497 = arith.subf %broadcast_in_dim3A_368, %add3A_494 : vector<16xf32>
    %mul3A_498 = arith.mulf %select_n3A_496, %sub3A_497 : vector<16xf32>
    %add3A_499 = arith.addf %add3A_494, %mul3A_498 : vector<16xf32>
    %eq3A_500 = arith.cmpf oeq, %sub3A_457, %max3A_464 : vector<16xf32>
    %select_n3A_501 = arith.select %eq3A_500, %broadcast_in_dim3A_368, %broadcast_in_dim3A_370 : vector<16xi1>, vector<16xf32>
    %sub3A_502 = arith.subf %broadcast_in_dim3A_368, %add3A_499 : vector<16xf32>
    %mul3A_503 = arith.mulf %select_n3A_501, %sub3A_502 : vector<16xf32>
    %add3A_504 = arith.addf %add3A_499, %mul3A_503 : vector<16xf32>
    %add3A_505 = arith.addf %max3A_377, %max3A_464 : vector<16xf32>
    %mul3A_506 = arith.mulf %mul3A_381, %max3A_377 : vector<16xf32>
    %mul3A_507 = arith.mulf %mul3A_468, %max3A_464 : vector<16xf32>
    %add3A_508 = arith.addf %mul3A_506, %mul3A_507 : vector<16xf32>
    %div3A_509 = arith.divf %add3A_508, %add3A_505 : vector<16xf32>
    %swap3A_510 = arith.constant 0 : i32
    %swap3A_511 = arith.index_cast %swap3A_510 : i32 to index
    %swap3A_512 = arith.constant 16 : index
    %swap3A_513 = tpu.vector_load %arg5[%swap3A_511, %swap3A_512] {strides = array<i32>} : memref<8x32xf32, #tpu.memory_space<vmem>>, vector<1x16xf32>,
    %swap3A_514 = vector.shape_cast %swap3A_513 : vector<1x16xf32> to vector<16xf32>
    %swap3A_515 = vector.shape_cast %div3A_509 : vector<16xf32> to vector<1x16xf32>
    tpu.vector_store %arg5[%swap3A_511, %swap3A_512], %swap3A_515 {strides = array<i32>} : memref<8x32xf32, #tpu.memory_space<vmem>>, vector<1x16xf32>,
    %mul3A_516 = arith.mulf %mul3A_386, %max3A_377 : vector<16xf32>
    %mul3A_517 = arith.mulf %mul3A_473, %max3A_464 : vector<16xf32>
    %add3A_518 = arith.addf %mul3A_516, %mul3A_517 : vector<16xf32>
    %div3A_519 = arith.divf %add3A_518, %add3A_505 : vector<16xf32>
    %swap3A_520 = arith.constant 1 : i32
    %swap3A_521 = arith.index_cast %swap3A_520 : i32 to index
    %swap3A_522 = arith.constant 16 : index
    %swap3A_523 = tpu.vector_load %arg5[%swap3A_521, %swap3A_522] {strides = array<i32>} : memref<8x32xf32, #tpu.memory_space<vmem>>, vector<1x16xf32>,
    %swap3A_524 = vector.shape_cast %swap3A_523 : vector<1x16xf32> to vector<16xf32>
    %swap3A_525 = vector.shape_cast %div3A_519 : vector<16xf32> to vector<1x16xf32>
    tpu.vector_store %arg5[%swap3A_521, %swap3A_522], %swap3A_525 {strides = array<i32>} : memref<8x32xf32, #tpu.memory_space<vmem>>, vector<1x16xf32>,
    %mul3A_526 = arith.mulf %mul3A_391, %max3A_377 : vector<16xf32>
    %mul3A_527 = arith.mulf %mul3A_478, %max3A_464 : vector<16xf32>
    %add3A_528 = arith.addf %mul3A_526, %mul3A_527 : vector<16xf32>
    %div3A_529 = arith.divf %add3A_528, %add3A_505 : vector<16xf32>
    %swap3A_530 = arith.constant 2 : i32
    %swap3A_531 = arith.index_cast %swap3A_530 : i32 to index
    %swap3A_532 = arith.constant 16 : index
    %swap3A_533 = tpu.vector_load %arg5[%swap3A_531, %swap3A_532] {strides = array<i32>} : memref<8x32xf32, #tpu.memory_space<vmem>>, vector<1x16xf32>,
    %swap3A_534 = vector.shape_cast %swap3A_533 : vector<1x16xf32> to vector<16xf32>
    %swap3A_535 = vector.shape_cast %div3A_529 : vector<16xf32> to vector<1x16xf32>
    tpu.vector_store %arg5[%swap3A_531, %swap3A_532], %swap3A_535 {strides = array<i32>} : memref<8x32xf32, #tpu.memory_space<vmem>>, vector<1x16xf32>,
    %mul3A_536 = arith.mulf %mul3A_396, %max3A_377 : vector<16xf32>
    %mul3A_537 = arith.mulf %mul3A_483, %max3A_464 : vector<16xf32>
    %add3A_538 = arith.addf %mul3A_536, %mul3A_537 : vector<16xf32>
    %div3A_539 = arith.divf %add3A_538, %add3A_505 : vector<16xf32>
    %swap3A_540 = arith.constant 3 : i32
    %swap3A_541 = arith.index_cast %swap3A_540 : i32 to index
    %swap3A_542 = arith.constant 16 : index
    %swap3A_543 = tpu.vector_load %arg5[%swap3A_541, %swap3A_542] {strides = array<i32>} : memref<8x32xf32, #tpu.memory_space<vmem>>, vector<1x16xf32>,
    %swap3A_544 = vector.shape_cast %swap3A_543 : vector<1x16xf32> to vector<16xf32>
    %swap3A_545 = vector.shape_cast %div3A_539 : vector<16xf32> to vector<1x16xf32>
    tpu.vector_store %arg5[%swap3A_541, %swap3A_542], %swap3A_545 {strides = array<i32>} : memref<8x32xf32, #tpu.memory_space<vmem>>, vector<1x16xf32>,
    %mul3A_546 = arith.mulf %mul3A_401, %max3A_377 : vector<16xf32>
    %mul3A_547 = arith.mulf %mul3A_488, %max3A_464 : vector<16xf32>
    %add3A_548 = arith.addf %mul3A_546, %mul3A_547 : vector<16xf32>
    %div3A_549 = arith.divf %add3A_548, %add3A_505 : vector<16xf32>
    %swap3A_550 = arith.constant 4 : i32
    %swap3A_551 = arith.index_cast %swap3A_550 : i32 to index
    %swap3A_552 = arith.constant 16 : index
    %swap3A_553 = tpu.vector_load %arg5[%swap3A_551, %swap3A_552] {strides = array<i32>} : memref<8x32xf32, #tpu.memory_space<vmem>>, vector<1x16xf32>,
    %swap3A_554 = vector.shape_cast %swap3A_553 : vector<1x16xf32> to vector<16xf32>
    %swap3A_555 = vector.shape_cast %div3A_549 : vector<16xf32> to vector<1x16xf32>
    tpu.vector_store %arg5[%swap3A_551, %swap3A_552], %swap3A_555 {strides = array<i32>} : memref<8x32xf32, #tpu.memory_space<vmem>>, vector<1x16xf32>,
    %mul3A_556 = arith.mulf %mul3A_406, %max3A_377 : vector<16xf32>
    %mul3A_557 = arith.mulf %mul3A_493, %max3A_464 : vector<16xf32>
    %add3A_558 = arith.addf %mul3A_556, %mul3A_557 : vector<16xf32>
    %div3A_559 = arith.divf %add3A_558, %add3A_505 : vector<16xf32>
    %swap3A_560 = arith.constant 5 : i32
    %swap3A_561 = arith.index_cast %swap3A_560 : i32 to index
    %swap3A_562 = arith.constant 16 : index
    %swap3A_563 = tpu.vector_load %arg5[%swap3A_561, %swap3A_562] {strides = array<i32>} : memref<8x32xf32, #tpu.memory_space<vmem>>, vector<1x16xf32>,
    %swap3A_564 = vector.shape_cast %swap3A_563 : vector<1x16xf32> to vector<16xf32>
    %swap3A_565 = vector.shape_cast %div3A_559 : vector<16xf32> to vector<1x16xf32>
    tpu.vector_store %arg5[%swap3A_561, %swap3A_562], %swap3A_565 {strides = array<i32>} : memref<8x32xf32, #tpu.memory_space<vmem>>, vector<1x16xf32>,
    %mul3A_566 = arith.mulf %mul3A_411, %max3A_377 : vector<16xf32>
    %mul3A_567 = arith.mulf %mul3A_498, %max3A_464 : vector<16xf32>
    %add3A_568 = arith.addf %mul3A_566, %mul3A_567 : vector<16xf32>
    %div3A_569 = arith.divf %add3A_568, %add3A_505 : vector<16xf32>
    %swap3A_570 = arith.constant 6 : i32
    %swap3A_571 = arith.index_cast %swap3A_570 : i32 to index
    %swap3A_572 = arith.constant 16 : index
    %swap3A_573 = tpu.vector_load %arg5[%swap3A_571, %swap3A_572] {strides = array<i32>} : memref<8x32xf32, #tpu.memory_space<vmem>>, vector<1x16xf32>,
    %swap3A_574 = vector.shape_cast %swap3A_573 : vector<1x16xf32> to vector<16xf32>
    %swap3A_575 = vector.shape_cast %div3A_569 : vector<16xf32> to vector<1x16xf32>
    tpu.vector_store %arg5[%swap3A_571, %swap3A_572], %swap3A_575 {strides = array<i32>} : memref<8x32xf32, #tpu.memory_space<vmem>>, vector<1x16xf32>,
    %mul3A_576 = arith.mulf %mul3A_416, %max3A_377 : vector<16xf32>
    %mul3A_577 = arith.mulf %mul3A_503, %max3A_464 : vector<16xf32>
    %add3A_578 = arith.addf %mul3A_576, %mul3A_577 : vector<16xf32>
    %div3A_579 = arith.divf %add3A_578, %add3A_505 : vector<16xf32>
    %swap3A_580 = arith.constant 7 : i32
    %swap3A_581 = arith.index_cast %swap3A_580 : i32 to index
    %swap3A_582 = arith.constant 16 : index
    %swap3A_583 = tpu.vector_load %arg5[%swap3A_581, %swap3A_582] {strides = array<i32>} : memref<8x32xf32, #tpu.memory_space<vmem>>, vector<1x16xf32>,
    %swap3A_584 = vector.shape_cast %swap3A_583 : vector<1x16xf32> to vector<16xf32>
    %swap3A_585 = vector.shape_cast %div3A_579 : vector<16xf32> to vector<1x16xf32>
    tpu.vector_store %arg5[%swap3A_581, %swap3A_582], %swap3A_585 {strides = array<i32>} : memref<8x32xf32, #tpu.memory_space<vmem>>, vector<1x16xf32>,
    "tpu.region"() ({
      %run_scoped3A = tpu.sem_alloc : memref<!tpu.dma_semaphore, #tpu.memory_space<semaphore_mem>>
      %dma_start3A = arith.constant 0 : i32
      %dma_start3A_586 = arith.constant 0 : i32
      %dma_start3A_587 = tpu.memref_slice %arg3[%add3A, %dma_start3A, %dma_start3A_586] : memref<32x8x32xf32, #tpu.memory_space<hbm>> -> memref<1x8x32xf32, #tpu.memory_space<hbm>>
      %dma_start3A_588 = tpu.memref_squeeze %dma_start3A_587 : memref<1x8x32xf32, #tpu.memory_space<hbm>> -> memref<8x32xf32, #tpu.memory_space<hbm>>
      %dma_start3A_589 = arith.constant 0 : i32
      %dma_start3A_590 = arith.constant 0 : i32
      %dma_start3A_591 = tpu.memref_slice %arg3[%add3A, %dma_start3A_589, %dma_start3A_590] : memref<32x8x32xf32, #tpu.memory_space<hbm>> -> memref<1x8x32xf32, #tpu.memory_space<hbm>>
      %dma_start3A_592 = tpu.memref_squeeze %dma_start3A_591 : memref<1x8x32xf32, #tpu.memory_space<hbm>> -> memref<8x32xf32, #tpu.memory_space<hbm>>
      tpu.enqueue_dma source(%arg5 : memref<8x32xf32, #tpu.memory_space<vmem>>) target(%dma_start3A_592 : memref<8x32xf32, #tpu.memory_space<hbm>>) target_semaphore(%run_scoped3A : memref<!tpu.dma_semaphore, #tpu.memory_space<semaphore_mem>>)
      %dma_wait3A = arith.constant 0 : i32
      %dma_wait3A_593 = arith.constant 0 : i32
      %dma_wait3A_594 = tpu.memref_slice %arg3[%add3A, %dma_wait3A, %dma_wait3A_593] : memref<32x8x32xf32, #tpu.memory_space<hbm>> -> memref<1x8x32xf32, #tpu.memory_space<hbm>>
      %dma_wait3A_595 = tpu.memref_squeeze %dma_wait3A_594 : memref<1x8x32xf32, #tpu.memory_space<hbm>> -> memref<8x32xf32, #tpu.memory_space<hbm>>
      %dma_wait3A_596 = arith.constant 0 : i32
      %dma_wait3A_597 = arith.constant 0 : i32
      %dma_wait3A_598 = tpu.memref_slice %arg3[%add3A, %dma_wait3A_596, %dma_wait3A_597] : memref<32x8x32xf32, #tpu.memory_space<hbm>> -> memref<1x8x32xf32, #tpu.memory_space<hbm>>
      %dma_wait3A_599 = tpu.memref_squeeze %dma_wait3A_598 : memref<1x8x32xf32, #tpu.memory_space<hbm>> -> memref<8x32xf32, #tpu.memory_space<hbm>>
      tpu.wait_dma2 semaphore(%run_scoped3A : memref<!tpu.dma_semaphore, #tpu.memory_space<semaphore_mem>>) src(%arg5 : memref<8x32xf32, #tpu.memory_space<vmem>>) dst(%dma_wait3A_599 : memref<8x32xf32, #tpu.memory_space<hbm>>)
      tpu.yield
    }) : () -> ()
    return
  }
}

module attributes {stable_mosaic.version = 14 : i64} {
  func.func @_moe_kernel(%arg0: i32, %arg1: memref<1024x1024xf32, #tpu.memory_space<vmem>>, %arg2: memref<1024x8xf32, #tpu.memory_space<vmem>>, %arg3: memref<1x512x1024xf32, #tpu.memory_space<vmem>>, %arg4: memref<1x512x1024xf32, #tpu.memory_space<vmem>>, %arg5: memref<1x1024x512xf32, #tpu.memory_space<vmem>>, %arg6: memref<1024x1024xf32, #tpu.memory_space<vmem>>, %arg7: memref<1024x1024xf32, #tpu.memory_space<vmem>>, %arg8: memref<1024x1024xf32, #tpu.memory_space<vmem>>, %arg9: memref<1x1024xf32, #tpu.memory_space<vmem>>, %arg10: memref<1024x1024xf32, #tpu.memory_space<vmem>>, %arg11: memref<1024x1024xbf16, #tpu.memory_space<vmem>>) attributes {dimension_semantics = [#tpu.dimension_semantics<arbitrary>], iteration_bounds = array<i64: 8>, scalar_prefetch = 0 : i64, scratch_operands = 1 : i64, tpu.core_type = #tpu.core_type<tc>, window_params = [{pipeline_mode = #tpu.pipeline_mode<synchronous>, transform_indices = @transform_0, window_bounds = array<i64: 1024, 1024>}, {pipeline_mode = #tpu.pipeline_mode<synchronous>, transform_indices = @transform_1, window_bounds = array<i64: 1024, 8>}, {transform_indices = @transform_2, window_bounds = array<i64: 1, 512, 1024>}, {transform_indices = @transform_3, window_bounds = array<i64: 1, 512, 1024>}, {transform_indices = @transform_4, window_bounds = array<i64: 1, 1024, 512>}, {pipeline_mode = #tpu.pipeline_mode<synchronous>, transform_indices = @transform_5, window_bounds = array<i64: 1024, 1024>}, {pipeline_mode = #tpu.pipeline_mode<synchronous>, transform_indices = @transform_6, window_bounds = array<i64: 1024, 1024>}, {pipeline_mode = #tpu.pipeline_mode<synchronous>, transform_indices = @transform_7, window_bounds = array<i64: 1024, 1024>}, {pipeline_mode = #tpu.pipeline_mode<synchronous>, transform_indices = @transform_8, window_bounds = array<i64: 1, 1024>}, {pipeline_mode = #tpu.pipeline_mode<synchronous>, transform_indices = @transform_9, window_bounds = array<i64: 1024, 1024>}]} {
    %iota3A = tpu.iota {dimensions = array<i32: 1>} : vector<1024x8xi32>
    %eq3A = arith.constant 0 : i32
    %eq3A_0 = arith.cmpi eq, %arg0, %eq3A : i32
    %convert_element_type3A = arith.extui %eq3A_0 : i1 to i32
    %cond3A = arith.constant 0 : i32
    %cond3A_1 = arith.cmpi ne, %convert_element_type3A, %cond3A : i32
    scf.if %cond3A_1 {
      %get3A_48 = arith.constant 0 : index
      %get3A_49 = arith.constant 0 : index
      %get3A_50 = vector.load %arg1[%get3A_48, %get3A_49] : memref<1024x1024xf32, #tpu.memory_space<vmem>>, vector<1024x1024xf32>
      %convert_element_type3A_51 = arith.truncf %get3A_50 : vector<1024x1024xf32> to vector<1024x1024xbf16>
      %swap3A_52 = arith.constant 0 : index
      %swap3A_53 = arith.constant 0 : index
      %swap3A_54 = vector.load %arg11[%swap3A_52, %swap3A_53] : memref<1024x1024xbf16, #tpu.memory_space<vmem>>, vector<1024x1024xbf16>
      tpu.vector_store %arg11[%swap3A_52, %swap3A_53], %convert_element_type3A_51 {strides = array<i32>} : memref<1024x1024xbf16, #tpu.memory_space<vmem>>, vector<1024x1024xbf16>,
      %get3A_55 = arith.constant 0 : index
      %get3A_56 = arith.constant 0 : index
      %get3A_57 = vector.load %arg11[%get3A_55, %get3A_56] : memref<1024x1024xbf16, #tpu.memory_space<vmem>>, vector<1024x1024xbf16>
      %get3A_58 = arith.constant 0 : index
      %get3A_59 = arith.constant 0 : index
      %get3A_60 = vector.load %arg6[%get3A_58, %get3A_59] : memref<1024x1024xf32, #tpu.memory_space<vmem>>, vector<1024x1024xf32>
      %convert_element_type3A_61 = arith.truncf %get3A_60 : vector<1024x1024xf32> to vector<1024x1024xbf16>
      %dot_general3A_62 = arith.constant dense<0.000000e+00> : vector<1024x1024xf32>
      %dot_general3A_63 = tpu.matmul %get3A_57, %convert_element_type3A_61, %dot_general3A_62 {dimension_numbers = #tpu.dot_dimension_numbers<[1], [1], [0], [0], [0, 0, 1, 0], [], []>, transpose_lhs_hint = false} : vector<1024x1024xbf16>, vector<1024x1024xbf16>, vector<1024x1024xf32> -> vector<1024x1024xf32>
      %get3A_64 = arith.constant 0 : index
      %get3A_65 = arith.constant 0 : index
      %get3A_66 = vector.load %arg7[%get3A_64, %get3A_65] : memref<1024x1024xf32, #tpu.memory_space<vmem>>, vector<1024x1024xf32>
      %convert_element_type3A_67 = arith.truncf %get3A_66 : vector<1024x1024xf32> to vector<1024x1024xbf16>
      %dot_general3A_68 = arith.constant dense<0.000000e+00> : vector<1024x1024xf32>
      %dot_general3A_69 = tpu.matmul %get3A_57, %convert_element_type3A_67, %dot_general3A_68 {dimension_numbers = #tpu.dot_dimension_numbers<[1], [1], [0], [0], [0, 0, 1, 0], [], []>, transpose_lhs_hint = false} : vector<1024x1024xbf16>, vector<1024x1024xbf16>, vector<1024x1024xf32> -> vector<1024x1024xf32>
      %logistic3A_70 = arith.negf %dot_general3A_63 : vector<1024x1024xf32>
      %logistic3A_71 = math.exp %logistic3A_70 : vector<1024x1024xf32>
      %logistic3A_72 = arith.constant 1.000000e+00 : f32
      %logistic3A_73 = vector.broadcast %logistic3A_72 : f32 to vector<1024x1024xf32>
      %logistic3A_74 = arith.addf %logistic3A_73, %logistic3A_71 : vector<1024x1024xf32>
      %logistic3A_75 = arith.divf %logistic3A_73, %logistic3A_74 : vector<1024x1024xf32>
      %mul3A_76 = arith.mulf %dot_general3A_63, %logistic3A_75 : vector<1024x1024xf32>
      %mul3A_77 = arith.mulf %mul3A_76, %dot_general3A_69 : vector<1024x1024xf32>
      %convert_element_type3A_78 = arith.truncf %mul3A_77 : vector<1024x1024xf32> to vector<1024x1024xbf16>
      %get3A_79 = arith.constant 0 : index
      %get3A_80 = arith.constant 0 : index
      %get3A_81 = vector.load %arg8[%get3A_79, %get3A_80] : memref<1024x1024xf32, #tpu.memory_space<vmem>>, vector<1024x1024xf32>
      %convert_element_type3A_82 = arith.truncf %get3A_81 : vector<1024x1024xf32> to vector<1024x1024xbf16>
      %dot_general3A_83 = arith.constant dense<0.000000e+00> : vector<1024x1024xf32>
      %dot_general3A_84 = tpu.matmul %convert_element_type3A_78, %convert_element_type3A_82, %dot_general3A_83 {dimension_numbers = #tpu.dot_dimension_numbers<[1], [1], [0], [0], [0, 0, 1, 0], [], []>, transpose_lhs_hint = false} : vector<1024x1024xbf16>, vector<1024x1024xbf16>, vector<1024x1024xf32> -> vector<1024x1024xf32>
      %get3A_85 = arith.constant 0 : index
      %get3A_86 = arith.constant 0 : index
      %get3A_87 = vector.load %arg9[%get3A_85, %get3A_86] : memref<1x1024xf32, #tpu.memory_space<vmem>>, vector<1x1024xf32>
      %dot_general3A_88 = arith.constant dense<0.000000e+00> : vector<1024x1xf32>
      %dot_general3A_89 = tpu.matmul %get3A_50, %get3A_87, %dot_general3A_88 {dimension_numbers = #tpu.dot_dimension_numbers<[1], [1], [0], [0], [0, 0, 1, 0], [], []>, transpose_lhs_hint = false} : vector<1024x1024xf32>, vector<1x1024xf32>, vector<1024x1xf32> -> vector<1024x1xf32>
      %logistic3A_90 = arith.negf %dot_general3A_89 : vector<1024x1xf32>
      %logistic3A_91 = math.exp %logistic3A_90 : vector<1024x1xf32>
      %logistic3A_92 = arith.constant 1.000000e+00 : f32
      %logistic3A_93 = vector.broadcast %logistic3A_92 : f32 to vector<1024x1xf32>
      %logistic3A_94 = arith.addf %logistic3A_93, %logistic3A_91 : vector<1024x1xf32>
      %logistic3A_95 = arith.divf %logistic3A_93, %logistic3A_94 : vector<1024x1xf32>
      %mul3A_96 = vector.broadcast %logistic3A_95 : vector<1024x1xf32> to vector<1024x1024xf32>
      %mul3A_97 = arith.mulf %mul3A_96, %dot_general3A_84 : vector<1024x1024xf32>
      %swap3A_98 = arith.constant 0 : index
      %swap3A_99 = arith.constant 0 : index
      %swap3A_100 = vector.load %arg10[%swap3A_98, %swap3A_99] : memref<1024x1024xf32, #tpu.memory_space<vmem>>, vector<1024x1024xf32>
      tpu.vector_store %arg10[%swap3A_98, %swap3A_99], %mul3A_97 {strides = array<i32>} : memref<1024x1024xf32, #tpu.memory_space<vmem>>, vector<1024x1024xf32>,
    } else {
    }
    %get3A = arith.constant 0 : index
    %get3A_2 = arith.constant 0 : index
    %get3A_3 = vector.load %arg11[%get3A, %get3A_2] : memref<1024x1024xbf16, #tpu.memory_space<vmem>>, vector<1024x1024xbf16>
    %get3A_4 = arith.constant 0 : index
    %get3A_5 = arith.constant 0 : index
    %get3A_6 = arith.constant 0 : index
    %get3A_7 = vector.load %arg3[%get3A_4, %get3A_5, %get3A_6] : memref<1x512x1024xf32, #tpu.memory_space<vmem>>, vector<1x512x1024xf32>
    %get3A_8 = vector.shape_cast %get3A_7 : vector<1x512x1024xf32> to vector<512x1024xf32>
    %convert_element_type3A_9 = arith.truncf %get3A_8 : vector<512x1024xf32> to vector<512x1024xbf16>
    %dot_general3A = arith.constant dense<0.000000e+00> : vector<1024x512xf32>
    %dot_general3A_10 = tpu.matmul %get3A_3, %convert_element_type3A_9, %dot_general3A {dimension_numbers = #tpu.dot_dimension_numbers<[1], [1], [0], [0], [0, 0, 1, 0], [], []>, transpose_lhs_hint = false} : vector<1024x1024xbf16>, vector<512x1024xbf16>, vector<1024x512xf32> -> vector<1024x512xf32>
    %get3A_11 = arith.constant 0 : index
    %get3A_12 = arith.constant 0 : index
    %get3A_13 = arith.constant 0 : index
    %get3A_14 = vector.load %arg4[%get3A_11, %get3A_12, %get3A_13] : memref<1x512x1024xf32, #tpu.memory_space<vmem>>, vector<1x512x1024xf32>
    %get3A_15 = vector.shape_cast %get3A_14 : vector<1x512x1024xf32> to vector<512x1024xf32>
    %convert_element_type3A_16 = arith.truncf %get3A_15 : vector<512x1024xf32> to vector<512x1024xbf16>
    %dot_general3A_17 = arith.constant dense<0.000000e+00> : vector<1024x512xf32>
    %dot_general3A_18 = tpu.matmul %get3A_3, %convert_element_type3A_16, %dot_general3A_17 {dimension_numbers = #tpu.dot_dimension_numbers<[1], [1], [0], [0], [0, 0, 1, 0], [], []>, transpose_lhs_hint = false} : vector<1024x1024xbf16>, vector<512x1024xbf16>, vector<1024x512xf32> -> vector<1024x512xf32>
    %logistic3A = arith.negf %dot_general3A_10 : vector<1024x512xf32>
    %logistic3A_19 = math.exp %logistic3A : vector<1024x512xf32>
    %logistic3A_20 = arith.constant 1.000000e+00 : f32
    %logistic3A_21 = vector.broadcast %logistic3A_20 : f32 to vector<1024x512xf32>
    %logistic3A_22 = arith.addf %logistic3A_21, %logistic3A_19 : vector<1024x512xf32>
    %logistic3A_23 = arith.divf %logistic3A_21, %logistic3A_22 : vector<1024x512xf32>
    %mul3A = arith.mulf %dot_general3A_10, %logistic3A_23 : vector<1024x512xf32>
    %mul3A_24 = arith.mulf %mul3A, %dot_general3A_18 : vector<1024x512xf32>
    %eq3A_25 = vector.broadcast %arg0 : i32 to vector<1024x8xi32>
    %eq3A_26 = arith.cmpi eq, %iota3A, %eq3A_25 : vector<1024x8xi32>
    %get3A_27 = arith.constant 0 : index
    %get3A_28 = arith.constant 0 : index
    %get3A_29 = vector.load %arg2[%get3A_27, %get3A_28] : memref<1024x8xf32, #tpu.memory_space<vmem>>, vector<1024x8xf32>
    %jit3A = arith.constant 0.000000e+00 : f32
    %broadcast_in_dim3A = vector.broadcast %jit3A : f32 to vector<1024x8xf32>
    %select_n3A = arith.select %eq3A_26, %get3A_29, %broadcast_in_dim3A : vector<1024x8xi1>, vector<1024x8xf32>
    %reduce_sum3A = arith.constant dense<0.000000e+00> : vector<1024xf32>
    %reduce_sum3A_30 = vector.multi_reduction <add>, %select_n3A, %reduce_sum3A [1] : vector<1024x8xf32> to vector<1024xf32>
    %broadcast_in_dim3A_31 = vector.shape_cast %reduce_sum3A_30 : vector<1024xf32> to vector<1024x1xf32>
    %get3A_32 = arith.constant 0 : index
    %get3A_33 = arith.constant 0 : index
    %get3A_34 = vector.load %arg10[%get3A_32, %get3A_33] : memref<1024x1024xf32, #tpu.memory_space<vmem>>, vector<1024x1024xf32>
    %mul3A_35 = vector.broadcast %broadcast_in_dim3A_31 : vector<1024x1xf32> to vector<1024x512xf32>
    %mul3A_36 = arith.mulf %mul3A_24, %mul3A_35 : vector<1024x512xf32>
    %convert_element_type3A_37 = arith.truncf %mul3A_36 : vector<1024x512xf32> to vector<1024x512xbf16>
    %get3A_38 = arith.constant 0 : index
    %get3A_39 = arith.constant 0 : index
    %get3A_40 = arith.constant 0 : index
    %get3A_41 = vector.load %arg5[%get3A_38, %get3A_39, %get3A_40] : memref<1x1024x512xf32, #tpu.memory_space<vmem>>, vector<1x1024x512xf32>
    %get3A_42 = vector.shape_cast %get3A_41 : vector<1x1024x512xf32> to vector<1024x512xf32>
    %convert_element_type3A_43 = arith.truncf %get3A_42 : vector<1024x512xf32> to vector<1024x512xbf16>
    %dot_general3A_44 = arith.constant dense<0.000000e+00> : vector<1024x1024xf32>
    %dot_general3A_45 = tpu.matmul %convert_element_type3A_37, %convert_element_type3A_43, %dot_general3A_44 {dimension_numbers = #tpu.dot_dimension_numbers<[1], [1], [0], [0], [0, 0, 1, 0], [], []>, transpose_lhs_hint = false} : vector<1024x512xbf16>, vector<1024x512xbf16>, vector<1024x1024xf32> -> vector<1024x1024xf32>
    %add3A = arith.addf %get3A_34, %dot_general3A_45 : vector<1024x1024xf32>
    %swap3A = arith.constant 0 : index
    %swap3A_46 = arith.constant 0 : index
    %swap3A_47 = vector.load %arg10[%swap3A, %swap3A_46] : memref<1024x1024xf32, #tpu.memory_space<vmem>>, vector<1024x1024xf32>
    tpu.vector_store %arg10[%swap3A, %swap3A_46], %add3A {strides = array<i32>} : memref<1024x1024xf32, #tpu.memory_space<vmem>>, vector<1024x1024xf32>,
    return
  }
  func.func @transform_0(%arg0: i32) -> (i32, i32) {
    %c0_i32 = arith.constant 0 : i32
    %c0_i32_0 = arith.constant 0 : i32
    %c0_i32_1 = arith.constant 0 : i32
    return %c0_i32, %c0_i32_0 : i32, i32
  }
  func.func @transform_1(%arg0: i32) -> (i32, i32) {
    %c0_i32 = arith.constant 0 : i32
    %c0_i32_0 = arith.constant 0 : i32
    %c0_i32_1 = arith.constant 0 : i32
    return %c0_i32, %c0_i32_0 : i32, i32
  }
  func.func @transform_2(%arg0: i32) -> (i32, i32, i32) {
    %c0_i32 = arith.constant 0 : i32
    %c0_i32_0 = arith.constant 0 : i32
    %c0_i32_1 = arith.constant 0 : i32
    return %arg0, %c0_i32, %c0_i32_0 : i32, i32, i32
  }
  func.func @transform_3(%arg0: i32) -> (i32, i32, i32) {
    %c0_i32 = arith.constant 0 : i32
    %c0_i32_0 = arith.constant 0 : i32
    %c0_i32_1 = arith.constant 0 : i32
    return %arg0, %c0_i32, %c0_i32_0 : i32, i32, i32
  }
  func.func @transform_4(%arg0: i32) -> (i32, i32, i32) {
    %c0_i32 = arith.constant 0 : i32
    %c0_i32_0 = arith.constant 0 : i32
    %c0_i32_1 = arith.constant 0 : i32
    return %arg0, %c0_i32, %c0_i32_0 : i32, i32, i32
  }
  func.func @transform_5(%arg0: i32) -> (i32, i32) {
    %c0_i32 = arith.constant 0 : i32
    %c0_i32_0 = arith.constant 0 : i32
    %c0_i32_1 = arith.constant 0 : i32
    return %c0_i32, %c0_i32_0 : i32, i32
  }
  func.func @transform_6(%arg0: i32) -> (i32, i32) {
    %c0_i32 = arith.constant 0 : i32
    %c0_i32_0 = arith.constant 0 : i32
    %c0_i32_1 = arith.constant 0 : i32
    return %c0_i32, %c0_i32_0 : i32, i32
  }
  func.func @transform_7(%arg0: i32) -> (i32, i32) {
    %c0_i32 = arith.constant 0 : i32
    %c0_i32_0 = arith.constant 0 : i32
    %c0_i32_1 = arith.constant 0 : i32
    return %c0_i32, %c0_i32_0 : i32, i32
  }
  func.func @transform_8(%arg0: i32) -> (i32, i32) {
    %c0_i32 = arith.constant 0 : i32
    %c0_i32_0 = arith.constant 0 : i32
    %c0_i32_1 = arith.constant 0 : i32
    return %c0_i32, %c0_i32_0 : i32, i32
  }
  func.func @transform_9(%arg0: i32) -> (i32, i32) {
    %c0_i32 = arith.constant 0 : i32
    %c0_i32_0 = arith.constant 0 : i32
    %c0_i32_1 = arith.constant 0 : i32
    return %c0_i32, %c0_i32_0 : i32, i32
  }
}

module attributes {stable_mosaic.version = 14 : i64} {
  func.func @_logits_kernel(%arg0: memref<1024x1024xf32, #tpu.memory_space<vmem>>, %arg1: memref<8x1024xf32, #tpu.memory_space<vmem>>, %arg2: memref<8x1024xf32, #tpu.memory_space<vmem>>) attributes {dimension_semantics = [], scalar_prefetch = 0 : i64, scratch_operands = 0 : i64, tpu.core_type = #tpu.core_type<tc>} {
    %get3A = arith.constant 0 : index
    %get3A_0 = arith.constant 0 : index
    %get3A_1 = vector.load %arg1[%get3A, %get3A_0] : memref<8x1024xf32, #tpu.memory_space<vmem>>, vector<8x1024xf32>
    %get3A_2 = arith.constant 0 : index
    %get3A_3 = arith.constant 0 : index
    %get3A_4 = vector.load %arg0[%get3A_2, %get3A_3] : memref<1024x1024xf32, #tpu.memory_space<vmem>>, vector<1024x1024xf32>
    %dot_general3A = arith.constant dense<0.000000e+00> : vector<8x1024xf32>
    %dot_general3A_5 = tpu.matmul %get3A_1, %get3A_4, %dot_general3A {dimension_numbers = #tpu.dot_dimension_numbers<[1], [1], [0], [0], [0, 0, 1, 0], [], []>, transpose_lhs_hint = false} : vector<8x1024xf32>, vector<1024x1024xf32>, vector<8x1024xf32> -> vector<8x1024xf32>
    %swap3A = arith.constant 0 : index
    %swap3A_6 = arith.constant 0 : index
    %swap3A_7 = vector.load %arg2[%swap3A, %swap3A_6] : memref<8x1024xf32, #tpu.memory_space<vmem>>, vector<8x1024xf32>
    tpu.vector_store %arg2[%swap3A, %swap3A_6], %dot_general3A_5 {strides = array<i32>} : memref<8x1024xf32, #tpu.memory_space<vmem>>, vector<8x1024xf32>,
    return
  }
}

</mosaic_0001>

<sc_bundles>
// kernel: kernel.5.cloned.1.call-start
scs
__scs_entry_jumppad:
0x0: {  	(pc) =	sbr.rel $0x88, $3  }
0x1: {  	(tag) =	ssettag $0x0;
	lr =	simm.s32 $0x1  }
0x2: {  	[smem:$0x3F98] =	sst lr;
	_ =	strace $0xD0000000  }
0x3: {  	_ = 	snop  }
0x4: {  	_ = 	snop  }
0x5: {  	_ = 	snop  }
0x6: {  	_ = 	snop  }
0x7: {  	_ = 	snop  }
__scs_overlays_trampoline_lowered:
0x8: {  	[smem:$0x3FA7] =	sst s0  }
0x9: {  	[smem:$0x3FA8] =	sst s1  }
0xa: {  	[smem:$0x3FA9] =	sst s2  }
0xb: {  	[smem:$0x3FAA] =	sst s3  }
0xc: {  	[smem:$0x3FAB] =	sst s4  }
0xd: {  	[smem:$0x3FAC] =	sst s5  }
0xe: {  	[smem:$0x3FAD] =	sst s6  }
0xf: {  	[smem:$0x3FAE] =	sst s7  }
0x10: {  	[smem:$0x3FAF] =	sst s8  }
0x11: {  	[smem:$0x3FB0] =	sst s9;
	s0 =	simm.s32 @!p0 $0x0  }
0x12: {  	s1 =	sld [smem:$0x3F96];
	s0 =	simm.s32 @p0 $0x1  }
0x13: {  	[smem:$0x3FB1] =	sst s0;
	s0 =	simm.s32 @!p1 $0x0  }
0x14: {  	s2 =	sld [smem:$0x3F95];
	s0 =	simm.s32 @p1 $0x1  }
0x15: {  	[smem:$0x3FB2] =	sst s0;
	s0 =	simm.s32 @!p2 $0x0  }
0x16: {  	s3 =	sld [smem:$0x3FDB];
	s0 =	simm.s32 @p2 $0x1  }
0x17: {  	s4 =	simm.s32 $0x1BF5;
	[smem:$0x3FB4] =	sst s0  }
0x18: {  	s0 =	sld [smem:$0x3F97];
	_ =	swait.ge [sflag:s4], $0x0  }
0x19: {  	s7 =	sld [smem:$0x3F98]  }
0x1a: {  	s8 =	sadd.s32 $0xFFFFE003, lr  }
0x1b: {  	s9 =	sadd.s32 $0xFFFFFEF7, lr;
	s5 =	simm.s32 $0xFFFFFFFF;
	p2 =	slt.u32 s8, $0xFFFFF086  }
0x1c: {  	p1 =	slt.u32 s9, $0xF7A;
	s5 =	simm.s32 @!p2 $0x0  }
0x1d: {  	s5 =	simm.s32 @p1 $0x1;
	p0 =	seq.s32 s7, s2  }
0x1e: {  	s7 =	smul.u32 @!p0 $0xF7A, s2;
	p2 =	seq.s32 @!p0 s5, $0x0  }
0x1f: {  	s9 =	smul.u32 $0xF7A, s1;
	s8 =	simm.s32 @!p0 $0x1BF5;
	p2 =	por !p2, p0  }
0x20: {  	[sflag:s8] =	ssyncset.s32 @!p0 $0xFFFFF086;
	s6 =	sadd.s32 @!p0 s3, s7;
	s7 =	simm.s32 @!p0 $0x108  }
0x21: {  	s3 =	sadd.s32 s3, s9;
	s6 =	sadd.s32 @!p0 $0x88, s6;
	s7 =	simm.s32 @p2 $0x1082  }
0x22: {  	[simem:s7], [sflag:s8] =	dma.local @!p0 [hbm:s6], $0xF7A  }
0x23: {  	s9 =	sor.u32 $0xD0000000, s2;
	s6 =	simm.s32 $0x108;
	_ =	swait.ge @!p0 [sflag:s8], $0x0  }
0x24: {  	s3 =	sadd.s32 $0x88, s3;
	s6 =	simm.s32 @!p1 $0x1082;
	[sflag:s4] =	ssyncset.s32 $0xFFFFF086  }
0x25: {  	[simem:s6], [sflag:s4] =	dma.local [hbm:s3], $0xF7A  }
0x26: {  	[smem:$0x3F98] =	sst s1;
	(tag) =	ssettag s2;
	_ =	strace s9  }
0x27: {  	s1 =	sld [smem:$0x3FA8]  }
0x28: {  	s2 =	sld [smem:$0x3FA9]  }
0x29: {  	s4 =	sld [smem:$0x3FAB]  }
0x2a: {  	p0 =	seq.s32 s5, $0x0;
	s5 =	sld [smem:$0x3FAC]  }
0x2b: {  	s6 =	sld [smem:$0x3FAD]  }
0x2c: {  	s7 =	sld [smem:$0x3FAE]  }
0x2d: {  	s3 =	simm.s32 $0x108;
	s8 =	sld [smem:$0x3FAF]  }
0x2e: {  	s3 =	simm.s32 @!p0 $0x1082;
	s9 =	sld [smem:$0x3FB0]  }
0x2f: {  	lr =	sadd.s32 s0, s3;
	s0 =	sld [smem:$0x3FA7]  }
0x30: {  	s3 =	sld [smem:$0x3FAA]  }
0x31: {  	[smem:$0x3FB3] =	sst s10  }
0x32: {  	s10 =	sld [smem:$0x3FB1];
	_ =	sdelay $0x3  }
0x33: {  	p0 =	seq.s32 s10, $0x1;
	s10 =	sld [smem:$0x3FB3];
	_ =	sdelay $0x3  }
0x34: {  	[smem:$0x3FB3] =	sst s10  }
0x35: {  	s10 =	sld [smem:$0x3FB2];
	_ =	sdelay $0x3  }
0x36: {  	p1 =	seq.s32 s10, $0x1;
	s10 =	sld [smem:$0x3FB3];
	_ =	sdelay $0x3  }
0x37: {  	[smem:$0x3FB3] =	sst s10  }
0x38: {  	s10 =	sld [smem:$0x3FB4]  }
0x39: {  	_ = 	snop;
	(pc) =	sbr.ind lr, $3  }
0x3a: {  	_ = 	snop  }
0x3b: {  	_ = 	snop  }
0x3c: {  	p2 =	seq.s32 s10, $0x1;
	s10 =	sld [smem:$0x3FB3]  }
0x3d: {  	_ =	shalt  }
0x3e: {  	_ =	shalt  }
0x3f: {  	_ =	shalt  }
0x40: {  	_ =	shalt  }
0x41: {  	_ =	shalt  }
0x42: {  	_ =	shalt  }
0x43: {  	_ =	shalt  }
0x44: {  	_ =	shalt  }
0x45: {  	_ =	shalt  }
0x46: {  	_ =	shalt  }
0x47: {  	_ =	shalt  }
0x48: {  	_ =	shalt  }
0x49: {  	_ =	shalt  }
0x4a: {  	_ =	shalt  }
0x4b: {  	_ =	shalt  }
0x4c: {  	_ =	shalt  }
0x4d: {  	_ =	shalt  }
0x4e: {  	_ =	shalt  }
0x4f: {  	_ =	shalt  }
0x50: {  	_ =	shalt  }
0x51: {  	_ =	shalt  }
0x52: {  	_ =	shalt  }
0x53: {  	_ =	shalt  }
0x54: {  	_ =	shalt  }
0x55: {  	_ =	shalt  }
0x56: {  	_ =	shalt  }
0x57: {  	_ =	shalt  }
0x58: {  	_ =	shalt  }
0x59: {  	_ =	shalt  }
0x5a: {  	_ =	shalt  }
0x5b: {  	_ =	shalt  }
0x5c: {  	_ =	shalt  }
0x5d: {  	_ =	shalt  }
0x5e: {  	_ =	shalt  }
0x5f: {  	_ =	shalt  }
0x60: {  	_ =	shalt  }
0x61: {  	_ =	shalt  }
0x62: {  	_ =	shalt  }
0x63: {  	_ =	shalt  }
0x64: {  	_ =	shalt  }
0x65: {  	_ =	shalt  }
0x66: {  	_ =	shalt  }
0x67: {  	_ =	shalt  }
0x68: {  	_ =	shalt  }
0x69: {  	_ =	shalt  }
0x6a: {  	_ =	shalt  }
0x6b: {  	_ =	shalt  }
0x6c: {  	_ =	shalt  }
0x6d: {  	_ =	shalt  }
0x6e: {  	_ =	shalt  }
0x6f: {  	_ =	shalt  }
0x70: {  	_ =	shalt  }
0x71: {  	_ =	shalt  }
0x72: {  	_ =	shalt  }
0x73: {  	_ =	shalt  }
0x74: {  	_ =	shalt  }
0x75: {  	_ =	shalt  }
0x76: {  	_ =	shalt  }
0x77: {  	_ =	shalt  }
0x78: {  	_ =	shalt  }
0x79: {  	_ =	shalt  }
0x7a: {  	_ =	shalt  }
0x7b: {  	_ =	shalt  }
0x7c: {  	_ =	shalt  }
0x7d: {  	_ =	shalt  }
0x7e: {  	_ =	shalt  }
0x7f: {  	_ =	shalt  }
0x80: {  	_ =	shalt  }
0x81: {  	_ =	shalt  }
0x82: {  	_ =	shalt  }
0x83: {  	_ =	shalt  }
0x84: {  	_ =	shalt  }
0x85: {  	_ =	shalt  }
0x86: {  	_ =	shalt  }
0x87: {  	_ =	shalt  }
.Lfunc_end0:
.L_simem_size_0:
called_computation_lowered:
.L_overlay_start_0:
0x88: {  	s2 =	sld [smem:$0x3FD9]  }
0x89: {  	s3 =	sld [smem:$0x3FFE];
	_ =	sdelay $0x1  }
0x8a: {  	s1 =	srdreg.scid  }
0x8b: {  	s0 =	sand.u32 $0x1, s1  }
0x8c: {  	s17 =	sshll.u32 s0, $0xA;
	s2 =	sadd.s32 s3, s2  }
0x8d: {  	s2 =	sadd.s32 s2, s17  }
0x8e: {  	[smem:$0x3FBF] =	sst s2  }
0x8f: {  	_ = 	snop  }
0x90: {  	s2 =	sld [smem:$0x3FD0];
	(tm) =	ssettm $0x1  }
0x91: {  	s18 =	sld [smem:$0x3FFB];
	_ =	sdelay $0x3  }
0x92: {  	_ =	strace s18  }
0x93: {  	s3 =	sld [smem:$0x3FFC];
	_ =	sdelay $0x3  }
0x94: {  	_ =	strace s3  }
0x95: {  	s3 =	sld [smem:$0x3FFD];
	_ =	sdelay $0x3  }
0x96: {  	_ =	strace s3  }
0x97: {  	_ =	strace $0x8FFFFFFF  }
0x98: {  	s19 =	sld [smem:$0x3FDB];
	_ =	sdelay $0x1  }
0x99: {  	s4 =	simm.s32 $_scs_section_size  }
0x9a: {  	s5 =	simm.s32 $_size__tile_overlayer_lowered;
	s6 =	simm.s32 $_tile_overlayer_lowered  }
0x9b: {  	s22 =	simm.s32 $0x1BFF;
	s21 =	sshll.u32 s6, $0x1;
	s3 =	sadd.s32 s4, s19  }
0x9c: {  	s7 =	simm.s32 $0x0;
	s20 =	sshll.u32 s5, $0x1;
	s5 =	sadd.s32 s21, s3  }
0x9d: {  	[timem:s7], [sflag:s22] =	dma.local [hbm:s5], s20  }
0x9e: {  	_ =	swait.ge [sflag:s22], s20  }
0x9f: {  	s4 =	ssub.s32 $0x0, s20;
	[sflag:s22] =	ssyncset.done $0x0  }
0xa0: {  	[sflag:s22] =	ssyncadd.s32 s4;
	_ =	sdelay $0x1  }
0xa1: {  	s23 =	simm.s32 $0x1B8B  }
0xa2: {  	_ =	swait.ge [sflag:s23], $0x1  }
0xa3: {  	[sflag:s23] =	ssyncset.done $0x0  }
0xa4: {  	s25 =	simm.s32 $0x1B8E;
	s24 =	sld [smem:$0x3FFE];
	[sflag:s23] =	ssyncadd.s32 $0xFFFFFFFF  }
0xa5: {  	s26 =	simm.s32 $execute0_lowered;
	[smem:$0x3FD2] =	sst s25  }
0xa6: {  	s5 =	sshll.u32 s26, $0x1;
	_ =	strace $0x80000046;
	[dreg:$0x1] =	wrdreg $0xFFFFFFFF  }
0xa7: {  	s28 =	simm.s32 $_size_execute0_lowered;
	s3 =	sadd.s32 s3, s5;
	[dreg:$0x0] =	wrdreg $0x0  }
0xa8: {  	s5 =	sshll.u32 s28, $0x1;
	[dreg:$0x2] =	wrdreg s3  }
0xa9: {  	[dreg:$0x3] =	wrdreg s5  }
0xaa: {  	[dreg:$0x4] =	wrdreg $0xC0  }
0xab: {  	_ =	task [dreg:s7], $0x5FFFF  }
0xac: {  	[dreg:$0x1] =	wrdreg $0xFFFFFFFF  }
0xad: {  	[dreg:$0x0] =	wrdreg $0x60  }
0xae: {  	[dreg:$0x2] =	wrdreg s2  }
0xaf: {  	[dreg:$0x3] =	wrdreg s24  }
0xb0: {  	[dreg:$0x4] =	wrdreg $0x9  }
0xb1: {  	_ =	task.clear_ibuf [dreg:s7], $0x5FFFF;
	_ =	strace $0x90000046  }
0xb2: {  	s29 =	simm.s32 $0x9;
	_ =	strace $0x80000048  }
0xb3: {  	_ =	swait.ge [sflag:s29], $0x1  }
0xb4: {  	[sflag:s29] =	ssyncadd.s32 $0xFFFFFFFF  }
0xb5: {  	_ =	strace $0x90000048  }
0xb6: {  	_ =	sfence  }
0xb7: {  	s30 =	sld [smem:$0x0];
	_ =	sdelay $0x2  }
0xb8: {  	s31 =	sshll.u32 s1, $0xD;
	s1 =	sshrl.u32 s1, $0x2  }
0xb9: {  	s3 =	sand.u32 $0x4000, s31;
	s1 =	sadd.s32 s1, s30  }
0xba: {  	s0 =	sor.u32 s3, s0;
	s1 =	sshll.u32 s1, $0x11  }
0xbb: {  	s0 =	sor.u32 s1, s0  }
0xbc: {  	s0 =	sadd.s32 $0x8F2B, s0  }
0xbd: {  	[sflag:s0] =	ssyncadd.remote.s32 $0x1  }
0xbe: {  	_ =	sfence.sel $0xFFFF  }
0xbf: {  	[dreg:$0x0] =	wrdreg $0xFFFFFFFF;
	(pc) =	sbr.abs _section_cstart, $3  }
0xc0: {  	[dreg:$0x1] =	wrdreg $0xFFFFFFFF  }
0xc1: {  	_ =	task.clear_ibuf [dreg:s7], $0x2FFFF;
	_ =	strace $0x9FFFFFFF  }
0xc2: {  	(tm) =	ssettm $0x7FFFFFFF  }
0xc3: {  	_ =	shalt  }
tec
execute0_lowered:
.L_overlay_start_1:
0x0: {  	(tag) =	ssettag $0x1  }
0x1: {  	s3 =	rddreg [dreg:$0x0]  }
0x2: {  	s5 =	rddreg [dreg:$0x1];
	s2 =	srdreg.scid  }
0x3: {  	s0 =	rddreg [dreg:$0x2];
	s1 =	stileid.u32;
	s7 =	sand.u32 $0x1, s2  }
0x4: {  	s2 =	simm.s32 $0x0;
	s4 =	sshll.u32 s1, $0x8;
	s6 =	sshll.u32 s7, $0x7  }
0x5: {  	[smem:$0x7FF] =	sst s2;
	s6 =	sor.u32 s6, s4  }
0x6: {  	_ =	strace $0x80000047;
	s4 =	sadd.s32 s3, s6;
	s3 =	simm.s32 $0x1  }
0x7: {  	[tilespmem:s2], [sflag:$0x1] =	stream.linear.gather [hbm4b:s4+s2], $0x400, $0x38;
	[tilespmem:$0x800] =	vst v63  }
0x8: {  	_ =	swait.ge [sflag:s3], $0x400  }
0x9: {  	[sflag:s3] =	ssyncset.done $0x0  }
0xa: {  	[sflag:s3] =	ssyncadd.s32 $0xFFFFFC00  }
0xb: {  	v0 =	vld [tilespmem:$0x310]  }
0xc: {  	v1 =	vld [tilespmem:$0x210]  }
0xd: {  	v2 =	vld [tilespmem:$0x180]  }
0xe: {  	v3 =	vld [tilespmem:$0x100]  }
0xf: {  	v4 =	vld [tilespmem:$0x190]  }
0x10: {  	v5 =	vld [tilespmem:$0x110]  }
0x11: {  	v6 =	vld [tilespmem:$0x90]  }
0x12: {  	v7 =	vld [tilespmem:$0x0]  }
0x13: {  	v8 =	vld [tilespmem:$0x10]  }
0x14: {  	v9 =	vld [tilespmem:$0x80]  }
0x15: {  	v10 =	vld [tilespmem:$0x290]  }
0x16: {  	v11 =	vld [tilespmem:$0x280]  }
0x17: {  	v12 =	vld [tilespmem:$0x200]  }
0x18: {  	v13 =	vld [tilespmem:$0x390];
	v14 =	vmax.f32 v8, v6  }
0x19: {  	v15 =	vld [tilespmem:$0x300];
	v16 =	vmax.f32 v7, v9;
	v14 =	vmax.f32 v14, v5  }
0x1a: {  	v17 =	vld [tilespmem:$0x380];
	v16 =	vmax.f32 v16, v3;
	v14 =	vmax.f32 v14, v4  }
0x1b: {  	v16 =	vmax.f32 v16, v2;
	v14 =	vmax.f32 v14, v1  }
0x1c: {  	v16 =	vmax.f32 v16, v12;
	v14 =	vmax.f32 v14, v10  }
0x1d: {  	v16 =	vmax.f32 v16, v11;
	v14 =	vmax.f32 v14, v0  }
0x1e: {  	v16 =	vmax.f32 v16, v15;
	v14 =	vmax.f32 v14, v13  }
0x1f: {  	v16 =	vmax.f32 v16, v17;
	v8 =	vsub.f32 v8, v14  }
0x20: {  	v7 =	vsub.f32 v7, v16  }
0x21: {  	v9 =	vsub.f32 v9, v16;
	v8 =	vmul.f32 $1.442695020e+00, v8  }
0x22: {  	v3 =	vsub.f32 v3, v16;
	v7 =	vmul.f32 $1.442695020e+00, v7  }
0x23: {  	v2 =	vsub.f32 v2, v16;
	v9 =	vmul.f32 $1.442695020e+00, v9;
	(erf) = vpow2.f32 v8  }
0x24: {  	v6 =	vsub.f32 v6, v14;
	v3 =	vmul.f32 $1.442695020e+00, v3;
	(erf) = vpow2.f32 v7  }
0x25: {  	v5 =	vsub.f32 v5, v14;
	v2 =	vmul.f32 $1.442695020e+00, v2;
	(erf) = vpow2.f32 v9  }
0x26: {  	v6 =	vmul.f32 $1.442695020e+00, v6;
	v7 =	vsub.f32 v12, v16;
	(erf) = vpow2.f32 v3  }
0x27: {  	v3 =	vsub.f32 v4, v14;
	v4 =	vmul.f32 $1.442695020e+00, v5;
	(erf) = vpow2.f32 v2  }
0x28: {  	v5 =	vmul.f32 $1.442695020e+00, v7;
	(erf) = vpow2.f32 v6  }
0x29: {  	v1 =	vsub.f32 v1, v14;
	(erf) = vpow2.f32 v4  }
0x2a: {  	v2 =	vsub.f32 v11, v16;
	(erf) = vpow2.f32 v5;
	v5 =	vsub.f32 v10, v14  }
0x2b: {  	v3 =	vmul.f32 $1.442695020e+00, v3;
	v4 =	vsub.f32 v15, v16  }
0x2c: {  	v1 =	vmul.f32 $1.442695020e+00, v1;
	v2 =	vmul.f32 $1.442695020e+00, v2;
	v6 =	vpop (erf)  }
0x2d: {  	v4 =	vmul.f32 $1.442695020e+00, v4;
	(erf) = vpow2.f32 v3;
	v3 =	vsub.f32 v17, v16;
	v7 =	vpop (erf)  }
0x2e: {  	(erf) = vpow2.f32 v2;
	v2 =	vmul.f32 $1.442695020e+00, v5;
	v5 =	vpop (erf)  }
0x2f: {  	(erf) = vpow2.f32 v1;
	v1 =	vmul.f32 $1.442695020e+00, v3;
	v3 =	vadd.f32 v5, v7;
	_ =	sdelay $0x1  }
0x30: {  	(erf) = vpow2.f32 v4;
	v4 =	vpop (erf)  }
0x31: {  	(erf) = vpow2.f32 v2;
	v2 =	vadd.f32 v3, v4  }
0x32: {  	v0 =	vsub.f32 v0, v14;
	v3 =	vpop (erf);
	(erf) = vpow2.f32 v1  }
0x33: {  	v1 =	vsub.f32 v13, v14;
	v9 =	vpop (erf);
	v2 =	vadd.f32 v2, v3  }
0x34: {  	v0 =	vmul.f32 $1.442695020e+00, v0;
	v11 =	vpop (erf)  }
0x35: {  	v1 =	vmul.f32 $1.442695020e+00, v1;
	v8 =	vpop (erf)  }
0x36: {  	(erf) = vpow2.f32 v0;
	v0 =	vadd.f32 v2, v8;
	v12 =	vpop (erf)  }
0x37: {  	v2 =	vpop (erf)  }
0x38: {  	v10 =	vadd.f32 v9, v6;
	v0 =	vadd.f32 v0, v2;
	v13 =	vpop (erf)  }
0x39: {  	(erf) = vpow2.f32 v1;
	v1 =	vpop (erf)  }
0x3a: {  	v10 =	vadd.f32 v10, v11;
	v0 =	vadd.f32 v0, v1;
	v14 =	vpop (erf)  }
0x3b: {  	v15 =	vpop (erf)  }
0x3c: {  	v10 =	vadd.f32 v10, v12;
	v0 =	vadd.f32 v0, v15;
	_ =	sdelay $0x1  }
0x3d: {  	v10 =	vadd.f32 v10, v13;
	(erf) = vrcp.f32 v0;
	_ =	sdelay $0x1  }
0x3e: {  	v10 =	vadd.f32 v10, v14  }
0x3f: {  	v16 =	vpop (erf)  }
0x40: {  	v0 =	vadd.f32 v10, v16  }
0x41: {  	v17 =	vpop (erf)  }
0x42: {  	v0 =	vadd.f32 v0, v17;
	_ =	sdelay $0x1  }
0x43: {  	(erf) = vrcp.f32 v0  }
0x44: {  	v18 =	vpop (erf)  }
0x45: {  	v19 =	vmul.f32 v18, v7;
	v20 =	vmul.f32 v18, v5  }
0x46: {  	v21 =	vmul.f32 v18, v4  }
0x47: {  	v22 =	vmul.f32 v18, v3;
	v0 =	vmax.f32 v19, v20  }
0x48: {  	v23 =	vmul.f32 v18, v8;
	v0 =	vmax.f32 v0, v21  }
0x49: {  	v24 =	vmul.f32 v18, v2;
	v2 =	vmax.f32 v0, v22  }
0x4a: {  	v10 =	vmul.f32 v18, v1;
	v2 =	vmax.f32 v2, v23  }
0x4b: {  	v8 =	vmul.f32 v18, v15;
	v3 =	vmax.f32 v2, v24  }
0x4c: {  	v5 =	vpop (erf);
	v0 =	vimm.f32 $0.0e+00;
	v3 =	vmax.f32 v3, v10  }
0x4d: {  	v1 =	vmul.f32 v5, v6;
	v11 =	vmul.f32 v5, v11;
	v3 =	vmax.f32 v3, v8  }
0x4e: {  	v9 =	vmul.f32 v5, v9;
	v18 =	vmul.f32 v5, v13;
	vm0 =	veq.f32 v19, v3  }
0x4f: {  	v2 =	vmul.f32 v5, v16;
	v16 =	vmul.f32 v5, v12;
	v4 =	vsel vm0, $0x3F800000, v0  }
0x50: {  	v13 =	vmax.f32 v1, v9;
	vm0 =	veq.f32 v20, v3;
	v6 =	vsub.f32 $1.000000000e+00, v4  }
0x51: {  	v25 =	vmul.f32 v5, v14;
	v13 =	vmax.f32 v13, v11;
	v14 =	vsel vm0, $0x3F800000, v0  }
0x52: {  	v15 =	vadd.f32 $1.000000000e+00, v20;
	v13 =	vmax.f32 v13, v16;
	v6 =	vmul.f32 v6, v14  }
0x53: {  	v7 =	vadd.f32 $1.000000000e+00, v19;
	v55 =	vadd.f32 $1.000000000e+00, v22;
	v13 =	vmax.f32 v13, v18  }
0x54: {  	v5 =	vmul.f32 v5, v17;
	v13 =	vmax.f32 v13, v25;
	v14 =	vadd.f32 v6, v4  }
0x55: {  	v59 =	vadd.f32 $1.000000000e+00, v23;
	v17 =	vmul.f32 v4, v7;
	v7 =	vmax.f32 v13, v2  }
0x56: {  	vm1 =	veq.f32 v21, v3;
	v7 =	vmax.f32 v7, v5;
	v26 =	vsub.f32 $1.000000000e+00, v14  }
0x57: {  	v27 =	vsel vm1, $0x3F800000, v0;
	vm1 =	veq.f32 v1, v7;
	v15 =	vmul.f32 v6, v15  }
0x58: {  	v19 =	vsub.f32 v19, v17;
	v53 =	vsel vm1, $0x3F800000, v0;
	v17 =	vmul.f32 v26, v27  }
0x59: {  	vm1 =	veq.f32 v9, v7;
	v20 =	vsub.f32 v20, v15;
	v15 =	vsub.f32 $1.000000000e+00, v53  }
0x5a: {  	v40 =	vadd.f32 $1.000000000e+00, v24;
	v54 =	vsel vm1, $0x3F800000, v0;
	v14 =	vadd.f32 v17, v14  }
0x5b: {  	v46 =	vadd.f32 $1.000000000e+00, v10;
	v13 =	vadd.f32 $1.000000000e+00, v21;
	v27 =	vmul.f32 v15, v54  }
0x5c: {  	v28 =	vadd.f32 $1.000000000e+00, v9;
	vm2 =	veq.f32 v22, v3;
	v15 =	vsub.f32 $1.000000000e+00, v14  }
0x5d: {  	v29 =	vsel vm2, $0x3F800000, v0;
	v13 =	vmul.f32 v17, v13;
	v30 =	vadd.f32 v27, v53  }
0x5e: {  	v52 =	vadd.f32 $1.000000000e+00, v8;
	vm6 =	veq.f32 v11, v7;
	v29 =	vmul.f32 v15, v29  }
0x5f: {  	v21 =	vsub.f32 v21, v13;
	v13 =	vmul.f32 v27, v28;
	v15 =	vsub.f32 $1.000000000e+00, v30  }
0x60: {  	v12 =	vadd.f32 $1.000000000e+00, v1;
	v32 =	vsel vm6, $0x3F800000, v0;
	v14 =	vadd.f32 v29, v14  }
0x61: {  	v56 =	vadd.f32 $1.000000000e+00, v11;
	v33 =	vsub.f32 v9, v13;
	v9 =	vmul.f32 v15, v32  }
0x62: {  	vm0 =	veq.f32 v23, v3;
	v13 =	vmul.f32 v29, v55;
	v15 =	vsub.f32 $1.000000000e+00, v14  }
0x63: {  	v61 =	vadd.f32 $1.000000000e+00, v16;
	v57 =	vsel vm0, $0x3F800000, v0;
	v30 =	vadd.f32 v9, v30  }
0x64: {  	vm3 =	veq.f32 v24, v3;
	v22 =	vsub.f32 v22, v13;
	v13 =	vmul.f32 v15, v57  }
0x65: {  	vm5 =	veq.f32 v16, v7;
	v15 =	vmul.f32 v9, v56;
	v58 =	vsub.f32 $1.000000000e+00, v30  }
0x66: {  	vm10 =	veq.f32 v10, v3;
	v34 =	vsel vm5, $0x3F800000, v0;
	v14 =	vadd.f32 v13, v14  }
0x67: {  	v62 =	vsel vm3, $0x3F800000, v0;
	v36 =	vsub.f32 v11, v15;
	v11 =	vmul.f32 v58, v34  }
0x68: {  	v31 =	vmul.f32 v53, v12;
	v12 =	vmax.f32 v19, v20;
	v60 =	vsub.f32 $1.000000000e+00, v14  }
0x69: {  	vm4 =	veq.f32 v18, v7;
	v12 =	vmax.f32 v12, v21;
	v30 =	vadd.f32 v11, v30  }
0x6a: {  	v37 =	vsel vm4, $0x3F800000, v0;
	v35 =	vmax.f32 v12, v22;
	v28 =	vmul.f32 v60, v62  }
0x6b: {  	v12 =	vmul.f32 v9, v7;
	v15 =	vmul.f32 v13, v59;
	v63 =	vsub.f32 $1.000000000e+00, v30  }
0x6c: {  	v9 =	vmul.f32 v13, v3;
	v13 =	vmul.f32 v11, v61;
	v14 =	vadd.f32 v28, v14  }
0x6d: {  	v23 =	vsub.f32 v23, v15;
	v15 =	vmul.f32 v11, v7;
	v11 =	vmul.f32 v63, v37  }
0x6e: {  	v38 =	vsub.f32 v16, v13;
	v16 =	vmul.f32 v28, v40;
	v41 =	vsub.f32 $1.000000000e+00, v14  }
0x6f: {  	v42 =	vadd.f32 $1.000000000e+00, v18;
	v43 =	vsel vm10, $0x3F800000, v0;
	v30 =	vadd.f32 v11, v30  }
0x70: {  	v50 =	vadd.f32 $1.000000000e+00, v25;
	v24 =	vsub.f32 v24, v16;
	v16 =	vmul.f32 v41, v43  }
0x71: {  	vm11 =	veq.f32 v8, v3;
	vm1 =	veq.f32 v25, v7;
	v45 =	vsub.f32 $1.000000000e+00, v30  }
0x72: {  	v47 =	vsel vm1, $0x3F800000, v0;
	v44 =	vmul.f32 v11, v42;
	v39 =	vadd.f32 v16, v14  }
0x73: {  	v51 =	vsel vm11, $0x3F800000, v0;
	v14 =	vmul.f32 v11, v7;
	v48 =	vmul.f32 v45, v47  }
0x74: {  	v49 =	vmul.f32 v16, v46;
	v11 =	vmul.f32 v16, v3;
	v16 =	vsub.f32 $1.000000000e+00, v39  }
0x75: {  	vm2 =	veq.f32 v2, v7;
	vm0 =	veq.f32 v5, v7;
	v30 =	vadd.f32 v48, v30  }
0x76: {  	v26 =	vmul.f32 v53, v7;
	v56 =	vsub.f32 v1, v31;
	v34 =	vmul.f32 v16, v51  }
0x77: {  	v57 =	vadd.f32 $1.000000000e+00, v2;
	v54 =	vmax.f32 v35, v23;
	v53 =	vsub.f32 $1.000000000e+00, v30  }
0x78: {  	v13 =	vmul.f32 v28, v3;
	v40 =	vsel vm2, $0x3F800000, v0;
	v39 =	vmul.f32 v34, v52  }
0x79: {  	v28 =	vsub.f32 v10, v49;
	v16 =	vmul.f32 v29, v3;
	v29 =	vmul.f32 v53, v40  }
0x7a: {  	v58 =	vadd.f32 $1.000000000e+00, v5;
	v55 =	vsub.f32 v8, v39;
	v8 =	vmax.f32 v54, v24  }
0x7b: {  	v59 =	vmax.f32 v56, v33;
	v1 =	vmax.f32 v8, v28;
	v8 =	vadd.f32 v29, v30  }
0x7c: {  	v60 =	vsel vm0, $0x3F800000, v0;
	v63 =	vmax.f32 v59, v36;
	v1 =	vmax.f32 v1, v55  }
0x7d: {  	v18 =	vsub.f32 v18, v44;
	vm1 =	veq.f32 v19, v1;
	v8 =	vsub.f32 $1.000000000e+00, v8  }
0x7e: {  	v32 =	vmul.f32 v48, v50;
	v19 =	vmul.f32 v29, v57;
	v61 =	vsel vm1, $0x3F800000, v0  }
0x7f: {  	vm0 =	veq.f32 v20, v1;
	v62 =	vsub.f32 $1.000000000e+00, v61;
	v8 =	vmul.f32 v8, v60  }
0x80: {  	v25 =	vsub.f32 v25, v32;
	v19 =	vsub.f32 v2, v19;
	v2 =	vsel vm0, $0x3F800000, v0  }
0x81: {  	v30 =	vmax.f32 v63, v38;
	v20 =	vmul.f32 v62, v2;
	v2 =	vmul.f32 v8, v58  }
0x82: {  	v6 =	vmul.f32 v6, v3;
	v35 =	vmax.f32 v30, v18;
	vm0 =	veq.f32 v22, v1  }
0x83: {  	v22 =	vmax.f32 v35, v25;
	v40 =	vadd.f32 v20, v61;
	v41 =	vsub.f32 v5, v2  }
0x84: {  	v37 =	vmul.f32 v17, v3;
	v17 =	vmul.f32 v27, v7;
	v2 =	vmax.f32 v22, v19  }
0x85: {  	vm1 =	veq.f32 v21, v1;
	v5 =	vsub.f32 $1.000000000e+00, v40;
	v2 =	vmax.f32 v2, v41  }
0x86: {  	v10 =	vmul.f32 v48, v7;
	v21 =	vsel vm1, $0x3F800000, v0;
	vm1 =	veq.f32 v56, v2  }
0x87: {  	v54 =	vmul.f32 v4, v3;
	v5 =	vmul.f32 v5, v21;
	v44 =	vsel vm1, $0x3F800000, v0  }
0x88: {  	vm12 =	veq.f32 v23, v1;
	vm1 =	veq.f32 v33, v2;
	v45 =	vsub.f32 $1.000000000e+00, v44  }
0x89: {  	v42 =	vadd.f32 v1, v3;
	v46 =	vsel vm1, $0x3F800000, v0;
	v23 =	vadd.f32 v5, v40  }
0x8a: {  	vm2 =	veq.f32 v24, v1;
	vm3 =	veq.f32 v28, v1;
	v24 =	vmul.f32 v45, v46  }
0x8b: {  	vm15 =	veq.f32 v55, v1;
	vm13 =	veq.f32 v18, v2;
	v18 =	vsub.f32 $1.000000000e+00, v23  }
0x8c: {  	v53 =	vsel vm12, $0x3F800000, v0;
	v49 =	vsel vm0, $0x3F800000, v0;
	v21 =	vadd.f32 v24, v44  }
0x8d: {  	v59 =	vsel vm3, $0x3F800000, v0;
	v43 =	vmul.f32 v61, v1;
	v18 =	vmul.f32 v18, v49  }
0x8e: {  	v58 =	vsel vm15, $0x3F800000, v0;
	vm7 =	veq.f32 v36, v2;
	v50 =	vsub.f32 $1.000000000e+00, v21  }
0x8f: {  	v47 =	vadd.f32 v2, v7;
	v51 =	vsel vm7, $0x3F800000, v0;
	v23 =	vadd.f32 v18, v23  }
0x90: {  	v20 =	vmul.f32 v20, v1;
	vm1 =	veq.f32 v19, v2;
	v27 =	vmul.f32 v50, v51  }
0x91: {  	(erf) = vrcp.f32 v47;
	v19 =	vmul.f32 v5, v1;
	v52 =	vsub.f32 $1.000000000e+00, v23  }
0x92: {  	v5 =	vmul.f32 v8, v7;
	v8 =	vmul.f32 v29, v7;
	v21 =	vadd.f32 v27, v21  }
0x93: {  	v20 =	vadd.f32 v20, v6;
	v7 =	vmul.f32 v34, v3;
	v3 =	vmul.f32 v52, v53  }
0x94: {  	v6 =	vsel vm2, $0x3F800000, v0;
	vm8 =	veq.f32 v38, v2;
	v56 =	vsub.f32 $1.000000000e+00, v21  }
0x95: {  	v55 =	vsel vm8, $0x3F800000, v0;
	(erf) = vrcp.f32 v42;
	v23 =	vadd.f32 v3, v23  }
0x96: {  	vm14 =	veq.f32 v25, v2;
	v57 =	vmul.f32 v3, v1;
	v3 =	vmul.f32 v56, v55  }
0x97: {  	v48 =	vmul.f32 v44, v2;
	v4 =	vadd.f32 v19, v37;
	v19 =	vsub.f32 $1.000000000e+00, v23  }
0x98: {  	vm0 =	veq.f32 v41, v2;
	v21 =	vadd.f32 v3, v21;
	v3 =	vmul.f32 v3, v2  }
0x99: {  	v60 =	vsel vm13, $0x3F800000, v0;
	v25 =	vadd.f32 v48, v26;
	v6 =	vmul.f32 v19, v6  }
0x9a: {  	v24 =	vmul.f32 v24, v2;
	v27 =	vmul.f32 v27, v2;
	v61 =	vsub.f32 $1.000000000e+00, v21  }
0x9b: {  	v15 =	vadd.f32 v3, v15;
	v23 =	vadd.f32 v6, v23;
	v6 =	vmul.f32 v6, v1  }
0x9c: {  	v17 =	vadd.f32 v24, v17;
	v18 =	vmul.f32 v18, v1;
	v12 =	vadd.f32 v27, v12;
	v3 =	vpop (erf)  }
0x9d: {  	v9 =	vadd.f32 v57, v9;
	v26 =	vmul.f32 v61, v60;
	v15 =	vmul.f32 v15, v3  }
0x9e: {  	s7 =	ssub.s32 $0x2, s7;
	v62 =	vsub.f32 $1.000000000e+00, v23;
	v13 =	vadd.f32 v6, v13;
	v12 =	vmul.f32 v12, v3  }
0x9f: {  	s8 =	sshrl.u32 s7, $0x1;
	v25 =	vmul.f32 v25, v3;
	v21 =	vadd.f32 v26, v21;
	[tilespmem:$0x590] =	vst v15;
	v15 =	vmul.f32 v26, v2;
	v6 =	vpop (erf)  }
0xa0: {  	s7 =	ssub.s32 s7, s8;
	v19 =	vsel vm14, $0x3F800000, v0;
	v24 =	vmul.f32 v62, v59;
	[tilespmem:$0x510] =	vst v12;
	v13 =	vmul.f32 v13, v6  }
0xa1: {  	s7 =	smax.u32 s7, $0x1;
	v17 =	vmul.f32 v17, v3;
	[tilespmem:$0x410] =	vst v25;
	v12 =	vmul.f32 v20, v6;
	v63 =	vsub.f32 $1.000000000e+00, v21  }
0xa2: {  	p0 =	sne.s32 s7, $0x1;
	v14 =	vadd.f32 v15, v14;
	v15 =	vadd.f32 v24, v23;
	[tilespmem:$0x680] =	vst v13;
	v13 =	vmul.f32 v24, v1  }
.Ltmp0:
0xa3: {  	v9 =	vmul.f32 v9, v6;
	[tilespmem:$0x480] =	vst v12;
	v12 =	vadd.f32 v18, v16;
	v16 =	vmul.f32 v63, v19;
	(pc) =	sbr.rel @!p0 .LBB2_2-.Ltmp0, $4  }
0xa4: {  	[tilespmem:$0x490] =	vst v17;
	v14 =	vmul.f32 v14, v3;
	v15 =	vsub.f32 $1.000000000e+00, v15;
	v18 =	vadd.f32 v13, v11  }
0xa5: {  	[tilespmem:$0x600] =	vst v9;
	v12 =	vmul.f32 v12, v6;
	v13 =	vadd.f32 v16, v21;
	v17 =	vmul.f32 v16, v2  }
0xa6: {  	s5 =	sadd.s32 s6, s5;
	[tilespmem:$0x610] =	vst v14;
	v11 =	vmul.f32 v15, v58;
	v14 =	vadd.f32 v43, v54;
	v15 =	vsel vm1, $0x3F800000, v0  }
0xa7: {  	s6 =	simm.s32 $0x400;
	s5 =	sadd.s32 $0x1000, s5;
	s7 =	sadd.s32 $0xFFFFFFFF, s7;
	v9 =	vmul.f32 v18, v6;
	[tilespmem:$0x580] =	vst v12;
	v16 =	vsub.f32 $1.000000000e+00, v13;
	v10 =	vadd.f32 v17, v10  }
.LBB2_1:
0xa8: {  	p0 =	sne.s32 s7, $0x1;
	s7 =	sadd.s32 $0xFFFFFFFF, s7;
	v12 =	vmul.f32 v14, v6;
	v4 =	vmul.f32 v4, v6  }
0xa9: {  	v14 =	vmul.f32 v16, v15;
	v10 =	vmul.f32 v10, v3  }
0xaa: {  	[tilespmem:$0x400] =	vst v12  }
0xab: {  	v12 =	vadd.f32 v14, v13;
	[tilespmem:$0x690] =	vst v10;
	v10 =	vmul.f32 v14, v2  }
0xac: {  	[tilespmem:$0x500] =	vst v4  }
0xad: {  	v4 =	vsel vm0, $0x3F800000, v0;
	v12 =	vsub.f32 $1.000000000e+00, v12;
	v8 =	vadd.f32 v10, v8;
	_ =	sdelay $0x1  }
0xae: {  	v4 =	vmul.f32 v12, v4;
	v8 =	vmul.f32 v8, v3  }
0xaf: {  	v1 =	vmul.f32 v11, v1  }
0xb0: {  	[tilespmem:$0x710] =	vst v8;
	v2 =	vmul.f32 v4, v2  }
0xb1: {  	v1 =	vadd.f32 v1, v7  }
0xb2: {  	v2 =	vadd.f32 v2, v5  }
0xb3: {  	v1 =	vmul.f32 v1, v6  }
0xb4: {  	[tilespmem:$0x700] =	vst v9;
	v2 =	vmul.f32 v2, v3  }
0xb5: {  	[tilespmem:$0x780] =	vst v1  }
0xb6: {  	[tilespmem:$0x790] =	vst v2  }
0xb7: {  	[hbm4b:s5+s2] =	stream.linear.scatter [tilespmem:s6], [sflag:$0x1], $0x400, $0x38;
	[tilespmem:$0x800] =	vst v63  }
0xb8: {  	_ =	swait.ge [sflag:s3], $0x400  }
0xb9: {  	[sflag:s3] =	ssyncset.done $0x0  }
0xba: {  	[sflag:s3] =	ssyncadd.s32 $0xFFFFFC00;
	_ =	sdelay $0x6  }
0xbb: {  	[tilespmem:s2], [sflag:$0x1] =	stream.linear.gather [hbm4b:s4+s2], $0x400, $0x38;
	[tilespmem:$0x800] =	vst v63  }
0xbc: {  	_ =	swait.ge [sflag:s3], $0x400  }
0xbd: {  	[sflag:s3] =	ssyncset.done $0x0  }
0xbe: {  	[sflag:s3] =	ssyncadd.s32 $0xFFFFFC00  }
0xbf: {  	v1 =	vld [tilespmem:$0x310]  }
0xc0: {  	v2 =	vld [tilespmem:$0x210]  }
0xc1: {  	v3 =	vld [tilespmem:$0x180]  }
0xc2: {  	v4 =	vld [tilespmem:$0x100]  }
0xc3: {  	v5 =	vld [tilespmem:$0x190]  }
0xc4: {  	v6 =	vld [tilespmem:$0x110]  }
0xc5: {  	v7 =	vld [tilespmem:$0x90]  }
0xc6: {  	v8 =	vld [tilespmem:$0x0]  }
0xc7: {  	v9 =	vld [tilespmem:$0x10]  }
0xc8: {  	v10 =	vld [tilespmem:$0x80]  }
0xc9: {  	v11 =	vld [tilespmem:$0x290]  }
0xca: {  	v12 =	vld [tilespmem:$0x280]  }
0xcb: {  	v13 =	vld [tilespmem:$0x200]  }
0xcc: {  	v14 =	vld [tilespmem:$0x390];
	v15 =	vmax.f32 v9, v7  }
0xcd: {  	v16 =	vld [tilespmem:$0x300];
	v17 =	vmax.f32 v8, v10;
	v15 =	vmax.f32 v15, v6  }
0xce: {  	v18 =	vld [tilespmem:$0x380];
	v17 =	vmax.f32 v17, v4;
	v15 =	vmax.f32 v15, v5  }
0xcf: {  	v17 =	vmax.f32 v17, v3;
	v15 =	vmax.f32 v15, v2  }
0xd0: {  	v17 =	vmax.f32 v17, v13;
	v15 =	vmax.f32 v15, v11  }
0xd1: {  	v17 =	vmax.f32 v17, v12;
	v15 =	vmax.f32 v15, v1  }
0xd2: {  	v17 =	vmax.f32 v17, v16;
	v15 =	vmax.f32 v15, v14  }
0xd3: {  	v17 =	vmax.f32 v17, v18;
	v9 =	vsub.f32 v9, v15;
	v7 =	vsub.f32 v7, v15  }
0xd4: {  	v8 =	vsub.f32 v8, v17;
	v10 =	vsub.f32 v10, v17  }
0xd5: {  	v13 =	vsub.f32 v13, v17;
	v12 =	vsub.f32 v12, v17;
	v9 =	vmul.f32 $1.442695020e+00, v9  }
0xd6: {  	v4 =	vsub.f32 v4, v17;
	v8 =	vmul.f32 $1.442695020e+00, v8;
	v10 =	vmul.f32 $1.442695020e+00, v10  }
0xd7: {  	v3 =	vsub.f32 v3, v17;
	v7 =	vmul.f32 $1.442695020e+00, v7;
	(erf) = vpow2.f32 v9  }
0xd8: {  	v6 =	vsub.f32 v6, v15;
	v9 =	vmul.f32 $1.442695020e+00, v12;
	(erf) = vpow2.f32 v8  }
0xd9: {  	v5 =	vsub.f32 v5, v15;
	v4 =	vmul.f32 $1.442695020e+00, v4;
	(erf) = vpow2.f32 v10  }
0xda: {  	v2 =	vsub.f32 v2, v15;
	v3 =	vmul.f32 $1.442695020e+00, v3;
	v8 =	vsub.f32 v16, v17  }
0xdb: {  	v5 =	vmul.f32 $1.442695020e+00, v5;
	v10 =	vsub.f32 v18, v17;
	(erf) = vpow2.f32 v4  }
0xdc: {  	v4 =	vmul.f32 $1.442695020e+00, v6;
	v6 =	vsub.f32 v11, v15;
	(erf) = vpow2.f32 v3  }
0xdd: {  	v1 =	vsub.f32 v1, v15;
	v3 =	vmul.f32 $1.442695020e+00, v13;
	(erf) = vpow2.f32 v7  }
0xde: {  	v7 =	vmul.f32 $1.442695020e+00, v8;
	v8 =	vsub.f32 v14, v15;
	(erf) = vpow2.f32 v4  }
0xdf: {  	v2 =	vmul.f32 $1.442695020e+00, v2;
	(erf) = vpow2.f32 v3  }
0xe0: {  	v3 =	vmul.f32 $1.442695020e+00, v10;
	v4 =	vpop (erf);
	(erf) = vpow2.f32 v5  }
0xe1: {  	v5 =	vmul.f32 $1.442695020e+00, v6;
	v6 =	vpop (erf);
	(erf) = vpow2.f32 v9  }
0xe2: {  	v1 =	vmul.f32 $1.442695020e+00, v1;
	v9 =	vpop (erf);
	(erf) = vpow2.f32 v2  }
0xe3: {  	v8 =	vmul.f32 $1.442695020e+00, v8;
	v2 =	vadd.f32 v9, v6;
	(erf) = vpow2.f32 v7  }
0xe4: {  	v7 =	vpop (erf);
	(erf) = vpow2.f32 v5  }
0xe5: {  	v2 =	vadd.f32 v2, v7;
	v5 =	vpop (erf);
	(erf) = vpow2.f32 v3  }
0xe6: {  	v10 =	vpop (erf)  }
0xe7: {  	v2 =	vadd.f32 v2, v5;
	v3 =	vadd.f32 v10, v4;
	v13 =	vpop (erf);
	(erf) = vpow2.f32 v1  }
0xe8: {  	v1 =	vpop (erf)  }
0xe9: {  	v2 =	vadd.f32 v2, v1;
	v3 =	vadd.f32 v3, v13;
	v14 =	vpop (erf);
	(erf) = vpow2.f32 v8  }
0xea: {  	v8 =	vpop (erf)  }
0xeb: {  	v2 =	vadd.f32 v2, v8;
	v3 =	vadd.f32 v3, v14;
	v15 =	vpop (erf)  }
0xec: {  	v12 =	vpop (erf)  }
0xed: {  	v2 =	vadd.f32 v2, v12;
	v3 =	vadd.f32 v3, v15;
	v17 =	vpop (erf)  }
0xee: {  	v16 =	vpop (erf)  }
0xef: {  	v2 =	vadd.f32 v2, v16;
	v3 =	vadd.f32 v3, v17  }
0xf0: {  	v18 =	vpop (erf)  }
0xf1: {  	v3 =	vadd.f32 v3, v18;
	(erf) = vrcp.f32 v2  }
0xf2: {  	v19 =	vpop (erf)  }
0xf3: {  	v2 =	vadd.f32 v3, v19;
	_ =	sdelay $0x1  }
0xf4: {  	(erf) = vrcp.f32 v2;
	_ =	sdelay $0x4  }
0xf5: {  	v3 =	vpop (erf)  }
0xf6: {  	v20 =	vmul.f32 v3, v6;
	v22 =	vmul.f32 v3, v9  }
0xf7: {  	v23 =	vmul.f32 v3, v7;
	v11 =	vmul.f32 v3, v8  }
0xf8: {  	v24 =	vmul.f32 v3, v5;
	v9 =	vmul.f32 v3, v1;
	v2 =	vmax.f32 v20, v22  }
0xf9: {  	v1 =	vmul.f32 v3, v16;
	v2 =	vmax.f32 v2, v23;
	v5 =	vpop (erf)  }
0xfa: {  	v6 =	vmax.f32 v2, v24;
	v8 =	vmul.f32 v5, v4;
	v2 =	vmul.f32 v5, v18  }
0xfb: {  	v12 =	vmul.f32 v3, v12;
	v25 =	vmul.f32 v5, v13;
	v3 =	vmax.f32 v6, v9  }
0xfc: {  	v13 =	vmul.f32 v5, v14;
	v3 =	vmax.f32 v3, v11;
	v14 =	vadd.f32 $1.000000000e+00, v8  }
0xfd: {  	v7 =	vadd.f32 $1.000000000e+00, v22;
	v16 =	vmul.f32 v5, v15;
	v3 =	vmax.f32 v3, v12  }
0xfe: {  	v15 =	vadd.f32 $1.000000000e+00, v20;
	v18 =	vmul.f32 v5, v17;
	v3 =	vmax.f32 v3, v1  }
0xff: {  	v10 =	vmul.f32 v5, v10;
	vm0 =	veq.f32 v20, v3;
	vm1 =	veq.f32 v22, v3  }
0x100: {  	vm2 =	veq.f32 v23, v3;
	vm4 =	veq.f32 v9, v3;
	v4 =	vsel vm0, $0x3F800000, v0  }
0x101: {  	v17 =	vmax.f32 v8, v10;
	vm0 =	veq.f32 v24, v3;
	v6 =	vsub.f32 $1.000000000e+00, v4  }
0x102: {  	v17 =	vmax.f32 v17, v25;
	v21 =	vsel vm1, $0x3F800000, v0;
	vm1 =	veq.f32 v11, v3  }
0x103: {  	v17 =	vmax.f32 v17, v13;
	v15 =	vmul.f32 v4, v15;
	v6 =	vmul.f32 v6, v21  }
0x104: {  	v26 =	vadd.f32 $1.000000000e+00, v23;
	v5 =	vmul.f32 v5, v19;
	v17 =	vmax.f32 v17, v16  }
0x105: {  	v17 =	vmax.f32 v17, v18;
	v19 =	vadd.f32 v6, v4;
	v7 =	vmul.f32 v6, v7  }
0x106: {  	v27 =	vsel vm2, $0x3F800000, v0;
	v21 =	vsub.f32 v20, v15;
	v15 =	vmax.f32 v17, v2  }
0x107: {  	v17 =	vsub.f32 $1.000000000e+00, v19;
	v20 =	vsub.f32 v22, v7;
	v7 =	vmax.f32 v15, v5  }
0x108: {  	vm2 =	veq.f32 v8, v7;
	vm3 =	veq.f32 v10, v7;
	vm6 =	veq.f32 v25, v7  }
0x109: {  	vm7 =	veq.f32 v13, v7;
	v17 =	vmul.f32 v17, v27;
	v27 =	vsel vm2, $0x3F800000, v0  }
0x10a: {  	vm5 =	veq.f32 v16, v7;
	v15 =	vsel vm3, $0x3F800000, v0;
	v22 =	vsub.f32 $1.000000000e+00, v27  }
0x10b: {  	vm2 =	veq.f32 v18, v7;
	v19 =	vadd.f32 v17, v19;
	v26 =	vmul.f32 v17, v26  }
0x10c: {  	v29 =	vmul.f32 v27, v14;
	v14 =	vadd.f32 $1.000000000e+00, v10;
	v28 =	vmul.f32 v22, v15  }
0x10d: {  	v15 =	vsub.f32 $1.000000000e+00, v19;
	v22 =	vsub.f32 v23, v26;
	v23 =	vmax.f32 v21, v20  }
0x10e: {  	v26 =	vsel vm0, $0x3F800000, v0;
	v30 =	vadd.f32 v28, v27;
	v14 =	vmul.f32 v28, v14  }
0x10f: {  	v26 =	vmul.f32 v15, v26;
	v15 =	vadd.f32 $1.000000000e+00, v24;
	v31 =	vmax.f32 v23, v22  }
0x110: {  	v32 =	vsel vm6, $0x3F800000, v0;
	v33 =	vsub.f32 $1.000000000e+00, v30;
	v23 =	vsub.f32 v10, v14  }
0x111: {  	vm3 =	veq.f32 v2, v7;
	v10 =	vadd.f32 v26, v19;
	v14 =	vmul.f32 v26, v15  }
0x112: {  	vm6 =	veq.f32 v12, v3;
	v19 =	vadd.f32 $1.000000000e+00, v25;
	v15 =	vmul.f32 v33, v32  }
0x113: {  	vm0 =	veq.f32 v5, v7;
	v32 =	vsub.f32 $1.000000000e+00, v10;
	v33 =	vsub.f32 v24, v14  }
0x114: {  	v14 =	vsel vm4, $0x3F800000, v0;
	v24 =	vadd.f32 v15, v30;
	v19 =	vmul.f32 v15, v19  }
0x115: {  	v30 =	vadd.f32 $1.000000000e+00, v9;
	v14 =	vmul.f32 v32, v14;
	v31 =	vmax.f32 v31, v33  }
0x116: {  	v32 =	vsel vm7, $0x3F800000, v0;
	v34 =	vsub.f32 $1.000000000e+00, v24;
	v25 =	vsub.f32 v25, v19  }
0x117: {  	vm4 =	veq.f32 v1, v3;
	v19 =	vadd.f32 v14, v10;
	v30 =	vmul.f32 v14, v30  }
0x118: {  	v10 =	vmul.f32 v15, v7;
	v32 =	vmul.f32 v34, v32;
	v34 =	vadd.f32 $1.000000000e+00, v13  }
0x119: {  	v15 =	vsub.f32 $1.000000000e+00, v19;
	v30 =	vsub.f32 v9, v30;
	v9 =	vmul.f32 v14, v3  }
0x11a: {  	v14 =	vsel vm1, $0x3F800000, v0;
	v24 =	vadd.f32 v32, v24;
	v34 =	vmul.f32 v32, v34  }
0x11b: {  	v35 =	vadd.f32 $1.000000000e+00, v11;
	v14 =	vmul.f32 v15, v14;
	v15 =	vmul.f32 v32, v7  }
0x11c: {  	v32 =	vsel vm5, $0x3F800000, v0;
	v36 =	vsub.f32 $1.000000000e+00, v24;
	v34 =	vsub.f32 v13, v34  }
0x11d: {  	v37 =	vadd.f32 v14, v19;
	v13 =	vmul.f32 v14, v35;
	v14 =	vmul.f32 v14, v3  }
0x11e: {  	v19 =	vmul.f32 v17, v3;
	v35 =	vadd.f32 $1.000000000e+00, v16;
	v32 =	vmul.f32 v36, v32  }
0x11f: {  	v17 =	vmul.f32 v28, v7;
	v36 =	vsub.f32 $1.000000000e+00, v37;
	v38 =	vsub.f32 v11, v13  }
0x120: {  	v11 =	vsel vm6, $0x3F800000, v0;
	v28 =	vadd.f32 v32, v24;
	v24 =	vmul.f32 v32, v35  }
0x121: {  	v35 =	vadd.f32 $1.000000000e+00, v12;
	v13 =	vmul.f32 v32, v7;
	v11 =	vmul.f32 v36, v11  }
0x122: {  	v32 =	vsel vm2, $0x3F800000, v0;
	v36 =	vsub.f32 $1.000000000e+00, v28;
	v39 =	vsub.f32 v16, v24  }
0x123: {  	v16 =	vadd.f32 v11, v37;
	v35 =	vmul.f32 v11, v35;
	v11 =	vmul.f32 v11, v3  }
0x124: {  	v24 =	vmul.f32 v27, v7;
	v32 =	vmul.f32 v36, v32;
	v36 =	vadd.f32 $1.000000000e+00, v18  }
0x125: {  	v27 =	vsub.f32 $1.000000000e+00, v16;
	v35 =	vsub.f32 v12, v35;
	v16 =	vmul.f32 v26, v3  }
0x126: {  	v12 =	vsel vm4, $0x3F800000, v0;
	v26 =	vadd.f32 v32, v28;
	v28 =	vmul.f32 v32, v36  }
0x127: {  	v36 =	vadd.f32 $1.000000000e+00, v1;
	v27 =	vmul.f32 v27, v12;
	v12 =	vmul.f32 v32, v7  }
0x128: {  	v32 =	vsel vm3, $0x3F800000, v0;
	v37 =	vsub.f32 $1.000000000e+00, v26;
	v28 =	vsub.f32 v18, v28  }
0x129: {  	v8 =	vsub.f32 v8, v29;
	v29 =	vadd.f32 $1.000000000e+00, v2;
	v18 =	vmul.f32 v27, v36  }
0x12a: {  	v31 =	vmax.f32 v31, v30;
	v36 =	vadd.f32 $1.000000000e+00, v5;
	v32 =	vmul.f32 v37, v32  }
0x12b: {  	v37 =	vsub.f32 v1, v18;
	v1 =	vmax.f32 v31, v38;
	v18 =	vmax.f32 v8, v23  }
0x12c: {  	v1 =	vmax.f32 v1, v35;
	v26 =	vadd.f32 v32, v26;
	v29 =	vmul.f32 v32, v29  }
0x12d: {  	v31 =	vsel vm0, $0x3F800000, v0;
	v18 =	vmax.f32 v18, v25;
	v1 =	vmax.f32 v1, v37  }
0x12e: {  	vm0 =	veq.f32 v21, v1;
	v21 =	vsub.f32 $1.000000000e+00, v26;
	v26 =	vsub.f32 v2, v29  }
0x12f: {  	vm7 =	veq.f32 v33, v1;
	v2 =	vsel vm0, $0x3F800000, v0;
	vm0 =	veq.f32 v20, v1  }
0x130: {  	vm4 =	veq.f32 v30, v1;
	v20 =	vsub.f32 $1.000000000e+00, v2;
	v21 =	vmul.f32 v21, v31  }
0x131: {  	v18 =	vmax.f32 v18, v34;
	v30 =	vadd.f32 v1, v3;
	v29 =	vsel vm0, $0x3F800000, v0  }
0x132: {  	v18 =	vmax.f32 v18, v39;
	v20 =	vmul.f32 v20, v29;
	v29 =	vmul.f32 v21, v36  }
0x133: {  	vm2 =	veq.f32 v38, v1;
	vm3 =	veq.f32 v35, v1;
	v18 =	vmax.f32 v18, v28  }
0x134: {  	v31 =	vadd.f32 v20, v2;
	v5 =	vsub.f32 v5, v29;
	v29 =	vmax.f32 v18, v26  }
0x135: {  	vm0 =	veq.f32 v22, v1;
	v18 =	vmul.f32 v2, v1;
	v20 =	vmul.f32 v20, v1  }
0x136: {  	v22 =	vsel vm0, $0x3F800000, v0;
	v33 =	vsub.f32 $1.000000000e+00, v31;
	v2 =	vmax.f32 v29, v5  }
0x137: {  	vm0 =	veq.f32 v8, v2;
	vm1 =	veq.f32 v23, v2;
	vm9 =	veq.f32 v25, v2  }
0x138: {  	vm8 =	veq.f32 v34, v2;
	v8 =	vmul.f32 v33, v22;
	v22 =	vsel vm0, $0x3F800000, v0  }
0x139: {  	v29 =	vadd.f32 v2, v7;
	v23 =	vsel vm1, $0x3F800000, v0;
	v25 =	vsub.f32 $1.000000000e+00, v22  }
0x13a: {  	vm5 =	veq.f32 v39, v2;
	vm6 =	veq.f32 v28, v2;
	v31 =	vadd.f32 v8, v31  }
0x13b: {  	vm1 =	veq.f32 v26, v2;
	v23 =	vmul.f32 v25, v23;
	v25 =	vmul.f32 v22, v2  }
0x13c: {  	vm0 =	veq.f32 v5, v2;
	v28 =	vmul.f32 v8, v1;
	v26 =	vsub.f32 $1.000000000e+00, v31  }
0x13d: {  	v5 =	vsel vm7, $0x3F800000, v0;
	v22 =	vadd.f32 v23, v22;
	v23 =	vmul.f32 v23, v2  }
0x13e: {  	vm7 =	veq.f32 v37, v1;
	v26 =	vmul.f32 v26, v5;
	v5 =	vmul.f32 v21, v7  }
0x13f: {  	v8 =	vmul.f32 v32, v7;
	v21 =	vsel vm9, $0x3F800000, v0;
	v33 =	vsub.f32 $1.000000000e+00, v22  }
0x140: {  	v7 =	vmul.f32 v27, v3;
	v31 =	vadd.f32 v26, v31;
	v26 =	vmul.f32 v26, v1  }
0x141: {  	v6 =	vmul.f32 v6, v3;
	v21 =	vmul.f32 v33, v21  }
0x142: {  	v32 =	vmul.f32 v4, v3;
	v27 =	vsub.f32 $1.000000000e+00, v31  }
0x143: {  	v3 =	vsel vm4, $0x3F800000, v0;
	v22 =	vadd.f32 v21, v22;
	(erf) = vrcp.f32 v29  }
0x144: {  	v21 =	vmul.f32 v21, v2;
	v3 =	vmul.f32 v27, v3  }
0x145: {  	v27 =	vsel vm8, $0x3F800000, v0;
	v29 =	vsub.f32 $1.000000000e+00, v22  }
0x146: {  	v31 =	vadd.f32 v3, v31;
	v33 =	vmul.f32 v3, v1;
	(erf) = vrcp.f32 v30  }
0x147: {  	v4 =	vadd.f32 v28, v19;
	v30 =	vsel vm7, $0x3F800000, v0;
	v3 =	vmul.f32 v29, v27  }
0x148: {  	v20 =	vadd.f32 v20, v6;
	v27 =	vsel vm3, $0x3F800000, v0;
	v19 =	vsub.f32 $1.000000000e+00, v31  }
0x149: {  	v6 =	vsel vm2, $0x3F800000, v0;
	v22 =	vadd.f32 v3, v22;
	v34 =	vmul.f32 v3, v2  }
0x14a: {  	v24 =	vadd.f32 v25, v24;
	v6 =	vmul.f32 v19, v6;
	v19 =	vsel vm6, $0x3F800000, v0  }
0x14b: {  	v25 =	vsel vm5, $0x3F800000, v0;
	v28 =	vsub.f32 $1.000000000e+00, v22;
	v15 =	vadd.f32 v34, v15  }
0x14c: {  	v10 =	vadd.f32 v21, v10;
	v29 =	vadd.f32 v6, v31;
	v31 =	vmul.f32 v6, v1;
	v3 =	vpop (erf)  }
0x14d: {  	v17 =	vadd.f32 v23, v17;
	v21 =	vmul.f32 v28, v25;
	v15 =	vmul.f32 v15, v3  }
0x14e: {  	v10 =	vmul.f32 v10, v3;
	v23 =	vsub.f32 $1.000000000e+00, v29;
	v14 =	vadd.f32 v31, v14  }
0x14f: {  	v24 =	vmul.f32 v24, v3;
	v22 =	vadd.f32 v21, v22;
	[tilespmem:$0x590] =	vst v15;
	v15 =	vmul.f32 v21, v2;
	v6 =	vpop (erf)  }
0x150: {  	v9 =	vadd.f32 v33, v9;
	v21 =	vmul.f32 v23, v27;
	v14 =	vmul.f32 v14, v6;
	[tilespmem:$0x510] =	vst v10  }
0x151: {  	v10 =	vmul.f32 v20, v6;
	v20 =	vsub.f32 $1.000000000e+00, v22;
	[tilespmem:$0x410] =	vst v24;
	v13 =	vadd.f32 v15, v13  }
0x152: {  	v17 =	vmul.f32 v17, v3;
	v15 =	vadd.f32 v21, v29;
	[tilespmem:$0x680] =	vst v14;
	v14 =	vmul.f32 v21, v1  }
.Ltmp1:
0x153: {  	[tilespmem:$0x480] =	vst v10;
	v10 =	vadd.f32 v26, v16;
	v16 =	vmul.f32 v20, v19;
	v19 =	vmul.f32 v13, v3;
	(pc) =	sbr.rel @p0 .LBB2_1-.Ltmp1, $4  }
0x154: {  	v9 =	vmul.f32 v9, v6;
	v15 =	vsub.f32 $1.000000000e+00, v15;
	v20 =	vadd.f32 v14, v11;
	[tilespmem:$0x490] =	vst v17  }
0x155: {  	v10 =	vmul.f32 v10, v6;
	v13 =	vadd.f32 v16, v22;
	[tilespmem:$0x610] =	vst v19;
	v17 =	vmul.f32 v16, v2  }
0x156: {  	v14 =	vadd.f32 v18, v32;
	v11 =	vmul.f32 v15, v30;
	[tilespmem:$0x600] =	vst v9;
	v9 =	vmul.f32 v20, v6  }
0x157: {  	v15 =	vsel vm1, $0x3F800000, v0;
	[tilespmem:$0x580] =	vst v10;
	v16 =	vsub.f32 $1.000000000e+00, v13;
	v10 =	vadd.f32 v17, v12  }
.LBB2_2:
0x158: {  	_ = 	snop  }
0x159: {  	v12 =	vmul.f32 v16, v15;
	_ =	sdelay $0x1  }
0x15a: {  	v13 =	vadd.f32 v12, v13;
	_ =	sdelay $0x1  }
0x15b: {  	v13 =	vsub.f32 $1.000000000e+00, v13  }
0x15c: {  	v0 =	vsel vm0, $0x3F800000, v0  }
0x15d: {  	v1 =	vmul.f32 v11, v1;
	v0 =	vmul.f32 v13, v0  }
0x15e: {  	v14 =	vmul.f32 v14, v6;
	v12 =	vmul.f32 v12, v2  }
0x15f: {  	v4 =	vmul.f32 v4, v6;
	[tilespmem:$0x700] =	vst v9;
	v1 =	vadd.f32 v1, v7;
	v0 =	vmul.f32 v0, v2  }
0x160: {  	v10 =	vmul.f32 v10, v3;
	[tilespmem:$0x400] =	vst v14;
	v8 =	vadd.f32 v12, v8  }
0x161: {  	[tilespmem:$0x500] =	vst v4;
	v1 =	vmul.f32 v1, v6;
	v0 =	vadd.f32 v0, v5  }
0x162: {  	[tilespmem:$0x690] =	vst v10;
	v63 =	vmul.f32 v8, v3  }
0x163: {  	[tilespmem:$0x780] =	vst v1;
	v0 =	vmul.f32 v0, v3  }
0x164: {  	[tilespmem:$0x710] =	vst v63  }
0x165: {  	[tilespmem:$0x790] =	vst v0  }
0x166: {  	[hbm4b:s5+s2] =	stream.linear.scatter [tilespmem:s6], [sflag:$0x1], $0x400, $0x38;
	[tilespmem:$0x800] =	vst v63  }
0x167: {  	_ =	swait.ge [sflag:s3], $0x400  }
0x168: {  	[sflag:s3] =	ssyncset.done $0x0  }
0x169: {  	[sflag:s3] =	ssyncadd.s32 $0xFFFFFC00  }
0x16a: {  	_ =	sfence.sel $0x180000  }
0x16b: {  	[bflag:$0x0] =	sbarrier.arrive $0xFFFF  }
0x16c: {  	p0 =	sne.s32 s1, $0x0;
	_ =	strace $0x90000047  }
0x16d: {  	s0 =	sadd.s32 @!p0 $0x100000, s0;
	[bflag:$0x2] =	sbarrier.arrive $0xFFFF  }
0x16e: {  	[sflag:s0] =	ssyncadd.tile.s32 @!p0 $0x1;
	_ =	shalt  }
.Lfunc_end2:
_tile_overlayer_lowered:
.L_overlay_start_2:
0x16f: {  	(tag) =	ssettag $0x2  }
0x170: {  	s0 =	rddreg [dreg:$0x0];
	s2 =	stileid.u32  }
0x171: {  	s1 =	rddreg [dreg:$0x1];
	p0 =	sne.s32 s2, $0x0  }
0x172: {  	s3 =	rddreg [dreg:$0x2];
	[bflag:$0x3] =	sbarrier.arrive $0xFFFF;
	s2 =	simm.s32 @!p0 $0x1C01  }
0x173: {  	[timem:s3], [sflag:s2] =	dma.local @!p0 [hbm:s0], s1  }
0x174: {  	s0 =	simm.s32 @!p0 $0x1  }
0x175: {  	_ =	swait.ge @!p0 [sflag:s0], s1  }
0x176: {  	s1 =	ssub.s32 @!p0 $0x0, s1;
	[sflag:s0] =	ssyncset.done @!p0 $0x0  }
0x177: {  	[sflag:s0] =	ssyncadd.s32 @!p0 s1  }
0x178: {  	[bflag:$0x3] =	sbarrier.arrive $0xFFFF  }
0x179: {  	_ =	shalt  }

</sc_bundles>
